<compile_context>
chip_gen: v7x
topology: tpu7x:2x2x1
jax: 0.10.2.dev20260603
libtpu: 0.0.44.dev20260713+nightly
codegen_flags: <defaults>
</compile_context>

<pallas_src>
import functools

import jax
import jax.numpy as jnp
from jax import lax
from jax.experimental import pallas as pl
from jax.experimental.pallas import tpu as pltpu
from jax.experimental.pallas import tpu_sc as plsc

N = 10000
D = 128
DH = D // 2
E = 320000
NC = 2
NS = 16
L = 16
CHUNK = 128
CPW = 158
HCPW = CPW // 2
E_PAD = NS * CPW * CHUNK
N_PAD = 10240
ROWS_PT = N_PAD // NS


def _agg_body(with_counts, *refs):
    if with_counts:
        (src2_hbm, dst_hbm, x2_hbm, out_hbm, cnt_hbm,
         sidx, didx, rows, zbuf, ones, zsmall, accum, cnt_acc, sem) = refs
    else:
        (src2_hbm, dst_hbm, x2_hbm, out_hbm,
         sidx, didx, rows, zbuf, accum, sem) = refs
    c = lax.axis_index("c")
    s = lax.axis_index("s")

    def zrow(i, _):
        for j in range(DH // L):
            zbuf[i, pl.ds(j * L, L)] = jnp.zeros((L,), jnp.float32)
        return 0
    lax.fori_loop(0, CHUNK, zrow, 0)
    if with_counts:
        def orow(i, _):
            ones[i, :] = jnp.ones((L,), jnp.float32)
            zsmall[i, :] = jnp.zeros((L,), jnp.float32)
            return 0
        lax.fori_loop(0, CHUNK, orow, 0)

    tb = s * ROWS_PT
    def zacc(i, _):
        pltpu.sync_copy(zbuf, accum.at[pl.ds(tb + i * CHUNK, CHUNK)])
        if with_counts:
            pltpu.sync_copy(zsmall, cnt_acc.at[pl.ds(tb + i * CHUNK, CHUNK)])
        return 0
    lax.fori_loop(0, ROWS_PT // CHUNK, zacc, 0)
    plsc.subcore_barrier()

    wbase = s * (CPW * CHUNK)
    cstart = c * HCPW
    def step(i, _):
        base = wbase + i * CHUNK
        pltpu.sync_copy(src2_hbm.at[c, pl.ds(base, CHUNK)], sidx)
        pltpu.sync_copy(dst_hbm.at[pl.ds(base, CHUNK)], didx)
        pltpu.async_copy(x2_hbm.at[sidx], rows, sem).wait()
        pltpu.sync_copy(rows, accum.at[didx], add=True)
        if with_counts:
            @pl.when((i >= cstart) & (i < cstart + HCPW))
            def _():
                pltpu.sync_copy(ones, cnt_acc.at[didx], add=True)
        return 0
    lax.fori_loop(0, CPW, step, 0)
    plsc.subcore_barrier()

    pltpu.sync_copy(accum.at[pl.ds(tb, ROWS_PT)], out_hbm.at[c, pl.ds(tb, ROWS_PT)])
    if with_counts:
        pltpu.sync_copy(cnt_acc.at[pl.ds(tb, ROWS_PT)],
                        cnt_hbm.at[c, pl.ds(tb, ROWS_PT)])


def _make_agg(with_counts):
    out_type = [jax.ShapeDtypeStruct((NC, N_PAD, DH), jnp.float32)]
    scratch = [
        pltpu.VMEM((CHUNK,), jnp.int32),
        pltpu.VMEM((CHUNK,), jnp.int32),
        pltpu.VMEM((CHUNK, DH), jnp.float32),
        pltpu.VMEM((CHUNK, DH), jnp.float32),
    ]
    if with_counts:
        out_type.append(jax.ShapeDtypeStruct((NC, N_PAD, L), jnp.float32))
        scratch.append(pltpu.VMEM((CHUNK, L), jnp.float32))
        scratch.append(pltpu.VMEM((CHUNK, L), jnp.float32))
    scratch.append(pltpu.VMEM_SHARED((N_PAD, DH), jnp.float32))
    if with_counts:
        scratch.append(pltpu.VMEM_SHARED((N_PAD, L), jnp.float32))
    scratch.append(pltpu.SemaphoreType.DMA)
    return pl.kernel(
        functools.partial(_agg_body, with_counts),
        mesh=plsc.VectorSubcoreMesh(core_axis_name="c", subcore_axis_name="s"),
        out_type=out_type,
        scratch_types=scratch,
        compiler_params=pltpu.CompilerParams(use_tc_tiling_on_sc=False),
    )


_agg_wc = _make_agg(True)
_agg_nc = _make_agg(False)


def _dotT(a, w):
    return lax.dot_general(a, w, (((1,), (1,)), ((), ())),
                           preferred_element_type=jnp.float32)


def _sage(plo, phi, c0, c1, xin, wl, bl, wr):
    cnt = jnp.maximum(c0[:, 0:1] + c1[:, 0:1], 1.0)
    r = 1.0 / cnt
    h = _dotT(plo[...] * r, wl[:, :DH]) + _dotT(phi[...] * r, wl[:, DH:])
    return h + bl[...] + _dotT(xin[...], wr[...])


def _fuse1_body(x, plo, phi, c0, c1, wl, bl, wr, o):
    o[...] = jnp.maximum(_sage(plo, phi, c0[...], c1[...], x, wl[...], bl, wr), 0.0)


def _fuse2_body(y1, plo, phi, c0, c1, wl, bl, wr, wm, bm, o):
    y2 = jnp.maximum(_sage(plo, phi, c0[...], c1[...], y1, wl[...], bl, wr), 0.0)
    o[...] = _dotT(y2, wm[...]) + bm[...]


_fuse1 = pl.pallas_call(
    _fuse1_body, out_shape=jax.ShapeDtypeStruct((N, D), jnp.float32))
_fuse2 = pl.pallas_call(
    _fuse2_body, out_shape=jax.ShapeDtypeStruct((N, D), jnp.float32))


def kernel(x, edge_index, batch, W1_l, b1_l, W1_r, W2_l, b2_l, W2_r, Wm, bm):
    ei = edge_index.astype(jnp.int32)
    pad = E_PAD - E
    src = jnp.concatenate([ei[0], jnp.zeros((pad,), jnp.int32)])
    dst = jnp.concatenate([ei[1], jnp.full((pad,), N, jnp.int32)])
    src2 = jnp.stack([2 * src, 2 * src + 1])

    p, cnt = _agg_wc(src2, dst, x.reshape(2 * N, DH))
    c0, c1 = cnt[0, :N], cnt[1, :N]
    y1 = _fuse1(x, p[0, :N], p[1, :N], c0, c1,
                W1_l, b1_l.reshape(1, D), W1_r)
    q = _agg_nc(src2, dst, y1.reshape(2 * N, DH))[0]
    return _fuse2(y1, q[0, :N], q[1, :N], c0, c1,
                  W2_l, b2_l.reshape(1, D), W2_r, Wm, bm.reshape(1, D))

# --- scband reference (transcript-rebuilt; emitter-appended) ---
"""Pipeline reference for scband-gnn-31731218383040 (READ-ONLY COPY).

The authoritative reference and input builder live on the scoring server;
editing this copy changes nothing except your own understanding.
"""

import jax, jax.numpy as jnp
import numpy as np

N_NODES = 10000
N_EDGES = 320000
D = 128


def _sage_conv(x, src, dst, W_l, b_l, W_r):
    # torch_geometric SAGEConv (mean aggr): out = lin_l(mean_j x_j) + lin_r(x_i)
    msg = jnp.take(x, src, axis=0)                                   # gather [E, d]
    agg = jax.ops.segment_sum(msg, dst, num_segments=N_NODES)        # scatter-add [N, d]
    cnt = jax.ops.segment_sum(jnp.ones((msg.shape[0], 1), dtype=x.dtype), dst, num_segments=N_NODES)
    mean = agg / jnp.clip(cnt, 1.0, None)
    return mean @ W_l.T + b_l + x @ W_r.T


def setup_inputs(seed: int = 0) -> dict:
    key = jax.random.key(seed)
    ks = jax.random.split(key, 12)
    x = jax.random.normal(ks[0], (N_NODES, D), dtype=jnp.float32)
    edge_index = jax.random.randint(ks[1], (2, N_EDGES), 0, N_NODES, dtype=jnp.int64)
    batch = jnp.zeros((N_NODES,), dtype=jnp.int64)
    s = 1.0 / np.sqrt(D)
    W1_l = jax.random.uniform(ks[2], (D, D), jnp.float32, -s, s)
    b1_l = jax.random.uniform(ks[3], (D,), jnp.float32, -s, s)
    W1_r = jax.random.uniform(ks[4], (D, D), jnp.float32, -s, s)
    W2_l = jax.random.uniform(ks[5], (D, D), jnp.float32, -s, s)
    b2_l = jax.random.uniform(ks[6], (D,), jnp.float32, -s, s)
    W2_r = jax.random.uniform(ks[7], (D, D), jnp.float32, -s, s)
    Wm = jax.random.uniform(ks[8], (D, D), jnp.float32, -s, s)
    bm = jax.random.uniform(ks[9], (D,), jnp.float32, -s, s)
    return {"x": x, "edge_index": edge_index, "batch": batch,
            "W1_l": W1_l, "b1_l": b1_l, "W1_r": W1_r,
            "W2_l": W2_l, "b2_l": b2_l, "W2_r": W2_r,
            "Wm": Wm, "bm": bm}


def reference(x, edge_index, batch, W1_l, b1_l, W1_r, W2_l, b2_l, W2_r, Wm, bm):
    src = edge_index[0]
    dst = edge_index[1]
    y = _sage_conv(x, src, dst, W1_l, b1_l, W1_r)
    y = jax.nn.relu(y)
    y = _sage_conv(y, src, dst, W2_l, b2_l, W2_r)
    y = jax.nn.relu(y)
    y = y @ Wm.T + bm
    return y

if __name__ == "__main__":
    import jax
    _d = setup_inputs()
    print(jax.jit(kernel)(*tuple(_d.values())))

</pallas_src>

<mosaic_0001>
#map = affine_map<(d0, d1) -> (0, 0)>
#map1 = affine_map<(d0, d1) -> (0)>
#map2 = affine_map<(d0, d1) -> (0, 0, 0)>
module attributes {stable_mosaic.version = 14 : i64} {
  func.func @_agg_body(%arg0: i32, %arg1: i32, %arg2: memref<2x323584xi32, #tpu.memory_space<hbm>>, %arg3: memref<323584xi32, #tpu.memory_space<hbm>>, %arg4: memref<20000x64xf32, #tpu.memory_space<hbm>>, %arg5: memref<2x10240x64xf32, #tpu.memory_space<hbm>>, %arg6: memref<2x10240x16xf32, #tpu.memory_space<hbm>>, %arg7: memref<128xi32, #tpu.memory_space<vmem>>, %arg8: memref<128xi32, #tpu.memory_space<vmem>>, %arg9: memref<128x64xf32, #tpu.memory_space<vmem>>, %arg10: memref<128x64xf32, #tpu.memory_space<vmem>>, %arg11: memref<128x16xf32, #tpu.memory_space<vmem>>, %arg12: memref<128x16xf32, #tpu.memory_space<vmem>>, %arg13: memref<10240x64xf32, #tpu.memory_space<vmem_shared>>, %arg14: memref<10240x16xf32, #tpu.memory_space<vmem_shared>>, %arg15: memref<!tpu.dma_semaphore, #tpu.memory_space<semaphore_mem>>) attributes {dimension_semantics = [#tpu.dimension_semantics<core_parallel>, #tpu.dimension_semantics<subcore_parallel>], iteration_bounds = array<i64: 2, 16>, scalar_prefetch = 0 : i64, scratch_operands = 9 : i64, tpu.core_type = #tpu.core_type<sc_vector_subcore>, window_params = [{transform_indices = #map}, {transform_indices = #map1}, {transform_indices = #map}, {transform_indices = #map2}, {transform_indices = #map2}]} {
    %scan3A = arith.constant 0 : i32
    %scan3A_0 = arith.constant 0 : i32
    %scan3A_1 = arith.constant 128 : i32
    %scan3A_2 = arith.addi %scan3A_0, %scan3A_1 : i32
    %scan3A_3 = arith.constant 1 : i32
    %scan3A_4 = scf.for %scan3A_33 = %scan3A_0 to %scan3A_2 step %scan3A_3 iter_args(%scan3A_34 = %scan3A) -> (i32)  : i32 {
      %broadcast_in_dim3A = arith.constant 0.000000e+00 : f32
      %broadcast_in_dim3A_35 = vector.broadcast %broadcast_in_dim3A : f32 to vector<16xf32>
      %swap3A = arith.index_cast %scan3A_33 : i32 to index
      %swap3A_36 = arith.constant 0 : index
      %swap3A_37 = tpu.vector_load %arg10[%swap3A, %swap3A_36] {strides = array<i32>} : memref<128x64xf32, #tpu.memory_space<vmem>>, vector<1x16xf32>,
      %swap3A_38 = vector.shape_cast %swap3A_37 : vector<1x16xf32> to vector<16xf32>
      %swap3A_39 = vector.shape_cast %broadcast_in_dim3A_35 : vector<16xf32> to vector<1x16xf32>
      tpu.vector_store %arg10[%swap3A, %swap3A_36], %swap3A_39 {strides = array<i32>} : memref<128x64xf32, #tpu.memory_space<vmem>>, vector<1x16xf32>,
      %broadcast_in_dim3A_40 = arith.constant 0.000000e+00 : f32
      %broadcast_in_dim3A_41 = vector.broadcast %broadcast_in_dim3A_40 : f32 to vector<16xf32>
      %swap3A_42 = arith.index_cast %scan3A_33 : i32 to index
      %swap3A_43 = arith.constant 16 : index
      %swap3A_44 = tpu.vector_load %arg10[%swap3A_42, %swap3A_43] {strides = array<i32>} : memref<128x64xf32, #tpu.memory_space<vmem>>, vector<1x16xf32>,
      %swap3A_45 = vector.shape_cast %swap3A_44 : vector<1x16xf32> to vector<16xf32>
      %swap3A_46 = vector.shape_cast %broadcast_in_dim3A_41 : vector<16xf32> to vector<1x16xf32>
      tpu.vector_store %arg10[%swap3A_42, %swap3A_43], %swap3A_46 {strides = array<i32>} : memref<128x64xf32, #tpu.memory_space<vmem>>, vector<1x16xf32>,
      %broadcast_in_dim3A_47 = arith.constant 0.000000e+00 : f32
      %broadcast_in_dim3A_48 = vector.broadcast %broadcast_in_dim3A_47 : f32 to vector<16xf32>
      %swap3A_49 = arith.index_cast %scan3A_33 : i32 to index
      %swap3A_50 = arith.constant 32 : index
      %swap3A_51 = tpu.vector_load %arg10[%swap3A_49, %swap3A_50] {strides = array<i32>} : memref<128x64xf32, #tpu.memory_space<vmem>>, vector<1x16xf32>,
      %swap3A_52 = vector.shape_cast %swap3A_51 : vector<1x16xf32> to vector<16xf32>
      %swap3A_53 = vector.shape_cast %broadcast_in_dim3A_48 : vector<16xf32> to vector<1x16xf32>
      tpu.vector_store %arg10[%swap3A_49, %swap3A_50], %swap3A_53 {strides = array<i32>} : memref<128x64xf32, #tpu.memory_space<vmem>>, vector<1x16xf32>,
      %broadcast_in_dim3A_54 = arith.constant 0.000000e+00 : f32
      %broadcast_in_dim3A_55 = vector.broadcast %broadcast_in_dim3A_54 : f32 to vector<16xf32>
      %swap3A_56 = arith.index_cast %scan3A_33 : i32 to index
      %swap3A_57 = arith.constant 48 : index
      %swap3A_58 = tpu.vector_load %arg10[%swap3A_56, %swap3A_57] {strides = array<i32>} : memref<128x64xf32, #tpu.memory_space<vmem>>, vector<1x16xf32>,
      %swap3A_59 = vector.shape_cast %swap3A_58 : vector<1x16xf32> to vector<16xf32>
      %swap3A_60 = vector.shape_cast %broadcast_in_dim3A_55 : vector<16xf32> to vector<1x16xf32>
      tpu.vector_store %arg10[%swap3A_56, %swap3A_57], %swap3A_60 {strides = array<i32>} : memref<128x64xf32, #tpu.memory_space<vmem>>, vector<1x16xf32>,
      %scan3A_61 = arith.constant 0 : i32
      scf.yield %scan3A_61 : i32
    }
    %scan3A_5 = arith.constant 128 : i32
    %scan3A_6 = arith.constant 0 : i32
    %scan3A_7 = arith.constant 0 : i32
    %scan3A_8 = arith.constant 128 : i32
    %scan3A_9 = arith.addi %scan3A_7, %scan3A_8 : i32
    %scan3A_10 = arith.constant 1 : i32
    %scan3A_11 = scf.for %scan3A_33 = %scan3A_7 to %scan3A_9 step %scan3A_10 iter_args(%scan3A_34 = %scan3A_6) -> (i32)  : i32 {
      %broadcast_in_dim3A = arith.constant 1.000000e+00 : f32
      %broadcast_in_dim3A_35 = vector.broadcast %broadcast_in_dim3A : f32 to vector<16xf32>
      %swap3A = arith.index_cast %scan3A_33 : i32 to index
      %swap3A_36 = arith.constant 0 : index
      %swap3A_37 = tpu.vector_load %arg11[%swap3A, %swap3A_36] {strides = array<i32>} : memref<128x16xf32, #tpu.memory_space<vmem>>, vector<1x16xf32>,
      %swap3A_38 = vector.shape_cast %swap3A_37 : vector<1x16xf32> to vector<16xf32>
      %swap3A_39 = vector.shape_cast %broadcast_in_dim3A_35 : vector<16xf32> to vector<1x16xf32>
      tpu.vector_store %arg11[%swap3A, %swap3A_36], %swap3A_39 {strides = array<i32>} : memref<128x16xf32, #tpu.memory_space<vmem>>, vector<1x16xf32>,
      %broadcast_in_dim3A_40 = arith.constant 0.000000e+00 : f32
      %broadcast_in_dim3A_41 = vector.broadcast %broadcast_in_dim3A_40 : f32 to vector<16xf32>
      %swap3A_42 = arith.index_cast %scan3A_33 : i32 to index
      %swap3A_43 = arith.constant 0 : index
      %swap3A_44 = tpu.vector_load %arg12[%swap3A_42, %swap3A_43] {strides = array<i32>} : memref<128x16xf32, #tpu.memory_space<vmem>>, vector<1x16xf32>,
      %swap3A_45 = vector.shape_cast %swap3A_44 : vector<1x16xf32> to vector<16xf32>
      %swap3A_46 = vector.shape_cast %broadcast_in_dim3A_41 : vector<16xf32> to vector<1x16xf32>
      tpu.vector_store %arg12[%swap3A_42, %swap3A_43], %swap3A_46 {strides = array<i32>} : memref<128x16xf32, #tpu.memory_space<vmem>>, vector<1x16xf32>,
      %scan3A_47 = arith.constant 0 : i32
      scf.yield %scan3A_47 : i32
    }
    %scan3A_12 = arith.constant 128 : i32
    %mul3A = arith.constant 640 : i32
    %mul3A_13 = arith.muli %arg1, %mul3A : i32
    %scan3A_14 = arith.constant 0 : i32
    %scan3A_15 = arith.constant 0 : i32
    %scan3A_16 = arith.constant 5 : i32
    %scan3A_17 = arith.addi %scan3A_15, %scan3A_16 : i32
    %scan3A_18 = arith.constant 1 : i32
    %scan3A_19 = scf.for %scan3A_33 = %scan3A_15 to %scan3A_17 step %scan3A_18 iter_args(%scan3A_34 = %scan3A_14) -> (i32)  : i32 {
      %mul3A_35 = arith.constant 128 : i32
      %mul3A_36 = arith.muli %scan3A_33, %mul3A_35 : i32
      %add3A = arith.addi %mul3A_13, %mul3A_36 : i32
      "tpu.region"() ({
        %run_scoped3A = tpu.sem_alloc : memref<!tpu.dma_semaphore, #tpu.memory_space<semaphore_mem>>
        %dma_start3A = arith.constant 0 : i32
        %dma_start3A_41 = tpu.memref_slice %arg13[%add3A, %dma_start3A] : memref<10240x64xf32, #tpu.memory_space<vmem_shared>> -> memref<128x64xf32, #tpu.memory_space<vmem_shared>>
        %dma_start3A_42 = arith.constant 0 : i32
        %dma_start3A_43 = tpu.memref_slice %arg13[%add3A, %dma_start3A_42] : memref<10240x64xf32, #tpu.memory_space<vmem_shared>> -> memref<128x64xf32, #tpu.memory_space<vmem_shared>>
        tpu.enqueue_dma source(%arg10 : memref<128x64xf32, #tpu.memory_space<vmem>>) target(%dma_start3A_43 : memref<128x64xf32, #tpu.memory_space<vmem_shared>>) target_semaphore(%run_scoped3A : memref<!tpu.dma_semaphore, #tpu.memory_space<semaphore_mem>>)
        %dma_wait3A = arith.constant 0 : i32
        %dma_wait3A_44 = tpu.memref_slice %arg13[%add3A, %dma_wait3A] : memref<10240x64xf32, #tpu.memory_space<vmem_shared>> -> memref<128x64xf32, #tpu.memory_space<vmem_shared>>
        %dma_wait3A_45 = arith.constant 0 : i32
        %dma_wait3A_46 = tpu.memref_slice %arg13[%add3A, %dma_wait3A_45] : memref<10240x64xf32, #tpu.memory_space<vmem_shared>> -> memref<128x64xf32, #tpu.memory_space<vmem_shared>>
        tpu.wait_dma2 semaphore(%run_scoped3A : memref<!tpu.dma_semaphore, #tpu.memory_space<semaphore_mem>>) src(%arg10 : memref<128x64xf32, #tpu.memory_space<vmem>>) dst(%dma_wait3A_46 : memref<128x64xf32, #tpu.memory_space<vmem_shared>>)
        tpu.yield
      }) : () -> ()
      %mul3A_37 = arith.constant 128 : i32
      %mul3A_38 = arith.muli %scan3A_33, %mul3A_37 : i32
      %add3A_39 = arith.addi %mul3A_13, %mul3A_38 : i32
      "tpu.region"() ({
        %run_scoped3A = tpu.sem_alloc : memref<!tpu.dma_semaphore, #tpu.memory_space<semaphore_mem>>
        %dma_start3A = arith.constant 0 : i32
        %dma_start3A_41 = tpu.memref_slice %arg14[%add3A_39, %dma_start3A] : memref<10240x16xf32, #tpu.memory_space<vmem_shared>> -> memref<128x16xf32, #tpu.memory_space<vmem_shared>>
        %dma_start3A_42 = arith.constant 0 : i32
        %dma_start3A_43 = tpu.memref_slice %arg14[%add3A_39, %dma_start3A_42] : memref<10240x16xf32, #tpu.memory_space<vmem_shared>> -> memref<128x16xf32, #tpu.memory_space<vmem_shared>>
        tpu.enqueue_dma source(%arg12 : memref<128x16xf32, #tpu.memory_space<vmem>>) target(%dma_start3A_43 : memref<128x16xf32, #tpu.memory_space<vmem_shared>>) target_semaphore(%run_scoped3A : memref<!tpu.dma_semaphore, #tpu.memory_space<semaphore_mem>>)
        %dma_wait3A = arith.constant 0 : i32
        %dma_wait3A_44 = tpu.memref_slice %arg14[%add3A_39, %dma_wait3A] : memref<10240x16xf32, #tpu.memory_space<vmem_shared>> -> memref<128x16xf32, #tpu.memory_space<vmem_shared>>
        %dma_wait3A_45 = arith.constant 0 : i32
        %dma_wait3A_46 = tpu.memref_slice %arg14[%add3A_39, %dma_wait3A_45] : memref<10240x16xf32, #tpu.memory_space<vmem_shared>> -> memref<128x16xf32, #tpu.memory_space<vmem_shared>>
        tpu.wait_dma2 semaphore(%run_scoped3A : memref<!tpu.dma_semaphore, #tpu.memory_space<semaphore_mem>>) src(%arg12 : memref<128x16xf32, #tpu.memory_space<vmem>>) dst(%dma_wait3A_46 : memref<128x16xf32, #tpu.memory_space<vmem_shared>>)
        tpu.yield
      }) : () -> ()
      %scan3A_40 = arith.constant 0 : i32
      scf.yield %scan3A_40 : i32
    }
    %scan3A_20 = arith.constant 5 : i32
    %barrier3A = arith.constant 0 : index
    tpu.barrier barrier_id(%barrier3A)
    %mul3A_21 = arith.constant 20224 : i32
    %mul3A_22 = arith.muli %arg1, %mul3A_21 : i32
    %mul3A_23 = arith.constant 79 : i32
    %mul3A_24 = arith.muli %arg0, %mul3A_23 : i32
    %scan3A_25 = arith.constant 0 : i32
    %scan3A_26 = arith.constant 0 : i32
    %scan3A_27 = arith.constant 158 : i32
    %scan3A_28 = arith.addi %scan3A_26, %scan3A_27 : i32
    %scan3A_29 = arith.constant 1 : i32
    %scan3A_30 = scf.for %scan3A_33 = %scan3A_26 to %scan3A_28 step %scan3A_29 iter_args(%scan3A_34 = %scan3A_25) -> (i32)  : i32 {
      %mul3A_35 = arith.constant 128 : i32
      %mul3A_36 = arith.muli %scan3A_33, %mul3A_35 : i32
      %add3A = arith.addi %mul3A_22, %mul3A_36 : i32
      "tpu.region"() ({
        %run_scoped3A = tpu.sem_alloc : memref<!tpu.dma_semaphore, #tpu.memory_space<semaphore_mem>>
        %dma_start3A_45 = tpu.memref_slice %arg2[%arg0, %add3A] : memref<2x323584xi32, #tpu.memory_space<hbm>> -> memref<1x128xi32, #tpu.memory_space<hbm>>
        %dma_start3A_46 = tpu.memref_squeeze %dma_start3A_45 : memref<1x128xi32, #tpu.memory_space<hbm>> -> memref<128xi32, #tpu.memory_space<hbm>>
        %dma_start3A_47 = tpu.memref_slice %arg2[%arg0, %add3A] : memref<2x323584xi32, #tpu.memory_space<hbm>> -> memref<1x128xi32, #tpu.memory_space<hbm>>
        %dma_start3A_48 = tpu.memref_squeeze %dma_start3A_47 : memref<1x128xi32, #tpu.memory_space<hbm>> -> memref<128xi32, #tpu.memory_space<hbm>>
        tpu.enqueue_dma source(%dma_start3A_48 : memref<128xi32, #tpu.memory_space<hbm>>) target(%arg7 : memref<128xi32, #tpu.memory_space<vmem>>) target_semaphore(%run_scoped3A : memref<!tpu.dma_semaphore, #tpu.memory_space<semaphore_mem>>)
        %dma_wait3A_49 = tpu.memref_slice %arg2[%arg0, %add3A] : memref<2x323584xi32, #tpu.memory_space<hbm>> -> memref<1x128xi32, #tpu.memory_space<hbm>>
        %dma_wait3A_50 = tpu.memref_squeeze %dma_wait3A_49 : memref<1x128xi32, #tpu.memory_space<hbm>> -> memref<128xi32, #tpu.memory_space<hbm>>
        %dma_wait3A_51 = tpu.memref_slice %arg2[%arg0, %add3A] : memref<2x323584xi32, #tpu.memory_space<hbm>> -> memref<1x128xi32, #tpu.memory_space<hbm>>
        %dma_wait3A_52 = tpu.memref_squeeze %dma_wait3A_51 : memref<1x128xi32, #tpu.memory_space<hbm>> -> memref<128xi32, #tpu.memory_space<hbm>>
        tpu.wait_dma2 semaphore(%run_scoped3A : memref<!tpu.dma_semaphore, #tpu.memory_space<semaphore_mem>>) src(%dma_wait3A_52 : memref<128xi32, #tpu.memory_space<hbm>>) dst(%arg7 : memref<128xi32, #tpu.memory_space<vmem>>)
        tpu.yield
      }) : () -> ()
      "tpu.region"() ({
        %run_scoped3A = tpu.sem_alloc : memref<!tpu.dma_semaphore, #tpu.memory_space<semaphore_mem>>
        %dma_start3A_45 = tpu.memref_slice %arg3[%add3A] : memref<323584xi32, #tpu.memory_space<hbm>> -> memref<128xi32, #tpu.memory_space<hbm>>
        %dma_start3A_46 = tpu.memref_slice %arg3[%add3A] : memref<323584xi32, #tpu.memory_space<hbm>> -> memref<128xi32, #tpu.memory_space<hbm>>
        tpu.enqueue_dma source(%dma_start3A_46 : memref<128xi32, #tpu.memory_space<hbm>>) target(%arg8 : memref<128xi32, #tpu.memory_space<vmem>>) target_semaphore(%run_scoped3A : memref<!tpu.dma_semaphore, #tpu.memory_space<semaphore_mem>>)
        %dma_wait3A_47 = tpu.memref_slice %arg3[%add3A] : memref<323584xi32, #tpu.memory_space<hbm>> -> memref<128xi32, #tpu.memory_space<hbm>>
        %dma_wait3A_48 = tpu.memref_slice %arg3[%add3A] : memref<323584xi32, #tpu.memory_space<hbm>> -> memref<128xi32, #tpu.memory_space<hbm>>
        tpu.wait_dma2 semaphore(%run_scoped3A : memref<!tpu.dma_semaphore, #tpu.memory_space<semaphore_mem>>) src(%dma_wait3A_48 : memref<128xi32, #tpu.memory_space<hbm>>) dst(%arg8 : memref<128xi32, #tpu.memory_space<vmem>>)
        tpu.yield
      }) : () -> ()
      %dma_start3A = arith.constant 0 : i32
      %dma_start3A_37 = arith.constant 0 : i32
      %dma_start3A_38 = tpu.memref_slice %arg4[%dma_start3A, %dma_start3A_37] : memref<20000x64xf32, #tpu.memory_space<hbm>> -> memref<20000x64xf32, #tpu.memory_space<hbm>>
      tpu.enqueue_indirect_dma source(%dma_start3A_38 : memref<20000x64xf32, #tpu.memory_space<hbm>>) target(%arg9 : memref<128x64xf32, #tpu.memory_space<vmem>>) offsets(%arg7 : memref<128xi32, #tpu.memory_space<vmem>>) semaphore(%arg15 : memref<!tpu.dma_semaphore, #tpu.memory_space<semaphore_mem>>)
      %dma_wait3A = arith.constant 0 : i32
      %dma_wait3A_39 = arith.constant 0 : i32
      %dma_wait3A_40 = tpu.memref_slice %arg4[%dma_wait3A, %dma_wait3A_39] : memref<20000x64xf32, #tpu.memory_space<hbm>> -> memref<20000x64xf32, #tpu.memory_space<hbm>>
      tpu.wait_indirect_dma semaphore(%arg15 : memref<!tpu.dma_semaphore, #tpu.memory_space<semaphore_mem>>) src(%dma_wait3A_40 : memref<20000x64xf32, #tpu.memory_space<hbm>>) dst(%arg9 : memref<128x64xf32, #tpu.memory_space<vmem>>)
      "tpu.region"() ({
        %run_scoped3A = tpu.sem_alloc : memref<!tpu.dma_semaphore, #tpu.memory_space<semaphore_mem>>
        %dma_start3A_45 = arith.constant 0 : i32
        %dma_start3A_46 = arith.constant 0 : i32
        %dma_start3A_47 = tpu.memref_slice %arg13[%dma_start3A_45, %dma_start3A_46] : memref<10240x64xf32, #tpu.memory_space<vmem_shared>> -> memref<10240x64xf32, #tpu.memory_space<vmem_shared>>
        tpu.enqueue_indirect_dma source(%arg9 : memref<128x64xf32, #tpu.memory_space<vmem>>) target(%dma_start3A_47 : memref<10240x64xf32, #tpu.memory_space<vmem_shared>>) offsets(%arg8 : memref<128xi32, #tpu.memory_space<vmem>>) semaphore(%run_scoped3A : memref<!tpu.dma_semaphore, #tpu.memory_space<semaphore_mem>>) {add = true}
        %dma_wait3A_48 = arith.constant 0 : i32
        %dma_wait3A_49 = arith.constant 0 : i32
        %dma_wait3A_50 = tpu.memref_slice %arg13[%dma_wait3A_48, %dma_wait3A_49] : memref<10240x64xf32, #tpu.memory_space<vmem_shared>> -> memref<10240x64xf32, #tpu.memory_space<vmem_shared>>
        tpu.wait_indirect_dma semaphore(%run_scoped3A : memref<!tpu.dma_semaphore, #tpu.memory_space<semaphore_mem>>) src(%arg9 : memref<128x64xf32, #tpu.memory_space<vmem>>) dst(%dma_wait3A_50 : memref<10240x64xf32, #tpu.memory_space<vmem_shared>>)
        tpu.yield
      }) : () -> ()
      %ge3A = arith.cmpi sge, %scan3A_33, %mul3A_24 : i32
      %add3A_41 = arith.constant 79 : i32
      %add3A_42 = arith.addi %mul3A_24, %add3A_41 : i32
      %lt3A = arith.cmpi slt, %scan3A_33, %add3A_42 : i32
      %and3A = arith.andi %ge3A, %lt3A : i1
      %convert_element_type3A = arith.extui %and3A : i1 to i32
      %cond3A = arith.constant 0 : i32
      %cond3A_43 = arith.cmpi ne, %convert_element_type3A, %cond3A : i32
      scf.if %cond3A_43 {
        "tpu.region"() ({
          %run_scoped3A = tpu.sem_alloc : memref<!tpu.dma_semaphore, #tpu.memory_space<semaphore_mem>>
          %dma_start3A_45 = arith.constant 0 : i32
          %dma_start3A_46 = arith.constant 0 : i32
          %dma_start3A_47 = tpu.memref_slice %arg14[%dma_start3A_45, %dma_start3A_46] : memref<10240x16xf32, #tpu.memory_space<vmem_shared>> -> memref<10240x16xf32, #tpu.memory_space<vmem_shared>>
          tpu.enqueue_indirect_dma source(%arg11 : memref<128x16xf32, #tpu.memory_space<vmem>>) target(%dma_start3A_47 : memref<10240x16xf32, #tpu.memory_space<vmem_shared>>) offsets(%arg8 : memref<128xi32, #tpu.memory_space<vmem>>) semaphore(%run_scoped3A : memref<!tpu.dma_semaphore, #tpu.memory_space<semaphore_mem>>) {add = true}
          %dma_wait3A_48 = arith.constant 0 : i32
          %dma_wait3A_49 = arith.constant 0 : i32
          %dma_wait3A_50 = tpu.memref_slice %arg14[%dma_wait3A_48, %dma_wait3A_49] : memref<10240x16xf32, #tpu.memory_space<vmem_shared>> -> memref<10240x16xf32, #tpu.memory_space<vmem_shared>>
          tpu.wait_indirect_dma semaphore(%run_scoped3A : memref<!tpu.dma_semaphore, #tpu.memory_space<semaphore_mem>>) src(%arg11 : memref<128x16xf32, #tpu.memory_space<vmem>>) dst(%dma_wait3A_50 : memref<10240x16xf32, #tpu.memory_space<vmem_shared>>)
          tpu.yield
        }) : () -> ()
      } else {
      }
      %scan3A_44 = arith.constant 0 : i32
      scf.yield %scan3A_44 : i32
    }
    %scan3A_31 = arith.constant 158 : i32
    %barrier3A_32 = arith.constant 0 : index
    tpu.barrier barrier_id(%barrier3A_32)
    "tpu.region"() ({
      %run_scoped3A = tpu.sem_alloc : memref<!tpu.dma_semaphore, #tpu.memory_space<semaphore_mem>>
      %dma_start3A = arith.constant 0 : i32
      %dma_start3A_33 = tpu.memref_slice %arg5[%arg0, %mul3A_13, %dma_start3A] : memref<2x10240x64xf32, #tpu.memory_space<hbm>> -> memref<1x640x64xf32, #tpu.memory_space<hbm>>
      %dma_start3A_34 = tpu.memref_squeeze %dma_start3A_33 : memref<1x640x64xf32, #tpu.memory_space<hbm>> -> memref<640x64xf32, #tpu.memory_space<hbm>>
      %dma_start3A_35 = arith.constant 0 : i32
      %dma_start3A_36 = tpu.memref_slice %arg13[%mul3A_13, %dma_start3A_35] : memref<10240x64xf32, #tpu.memory_space<vmem_shared>> -> memref<640x64xf32, #tpu.memory_space<vmem_shared>>
      tpu.enqueue_dma source(%dma_start3A_36 : memref<640x64xf32, #tpu.memory_space<vmem_shared>>) target(%dma_start3A_34 : memref<640x64xf32, #tpu.memory_space<hbm>>) target_semaphore(%run_scoped3A : memref<!tpu.dma_semaphore, #tpu.memory_space<semaphore_mem>>)
      %dma_wait3A = arith.constant 0 : i32
      %dma_wait3A_37 = tpu.memref_slice %arg5[%arg0, %mul3A_13, %dma_wait3A] : memref<2x10240x64xf32, #tpu.memory_space<hbm>> -> memref<1x640x64xf32, #tpu.memory_space<hbm>>
      %dma_wait3A_38 = tpu.memref_squeeze %dma_wait3A_37 : memref<1x640x64xf32, #tpu.memory_space<hbm>> -> memref<640x64xf32, #tpu.memory_space<hbm>>
      %dma_wait3A_39 = arith.constant 0 : i32
      %dma_wait3A_40 = tpu.memref_slice %arg13[%mul3A_13, %dma_wait3A_39] : memref<10240x64xf32, #tpu.memory_space<vmem_shared>> -> memref<640x64xf32, #tpu.memory_space<vmem_shared>>
      tpu.wait_dma2 semaphore(%run_scoped3A : memref<!tpu.dma_semaphore, #tpu.memory_space<semaphore_mem>>) src(%dma_wait3A_40 : memref<640x64xf32, #tpu.memory_space<vmem_shared>>) dst(%dma_wait3A_38 : memref<640x64xf32, #tpu.memory_space<hbm>>)
      tpu.yield
    }) : () -> ()
    "tpu.region"() ({
      %run_scoped3A = tpu.sem_alloc : memref<!tpu.dma_semaphore, #tpu.memory_space<semaphore_mem>>
      %dma_start3A = arith.constant 0 : i32
      %dma_start3A_33 = tpu.memref_slice %arg6[%arg0, %mul3A_13, %dma_start3A] : memref<2x10240x16xf32, #tpu.memory_space<hbm>> -> memref<1x640x16xf32, #tpu.memory_space<hbm>>
      %dma_start3A_34 = tpu.memref_squeeze %dma_start3A_33 : memref<1x640x16xf32, #tpu.memory_space<hbm>> -> memref<640x16xf32, #tpu.memory_space<hbm>>
      %dma_start3A_35 = arith.constant 0 : i32
      %dma_start3A_36 = tpu.memref_slice %arg14[%mul3A_13, %dma_start3A_35] : memref<10240x16xf32, #tpu.memory_space<vmem_shared>> -> memref<640x16xf32, #tpu.memory_space<vmem_shared>>
      tpu.enqueue_dma source(%dma_start3A_36 : memref<640x16xf32, #tpu.memory_space<vmem_shared>>) target(%dma_start3A_34 : memref<640x16xf32, #tpu.memory_space<hbm>>) target_semaphore(%run_scoped3A : memref<!tpu.dma_semaphore, #tpu.memory_space<semaphore_mem>>)
      %dma_wait3A = arith.constant 0 : i32
      %dma_wait3A_37 = tpu.memref_slice %arg6[%arg0, %mul3A_13, %dma_wait3A] : memref<2x10240x16xf32, #tpu.memory_space<hbm>> -> memref<1x640x16xf32, #tpu.memory_space<hbm>>
      %dma_wait3A_38 = tpu.memref_squeeze %dma_wait3A_37 : memref<1x640x16xf32, #tpu.memory_space<hbm>> -> memref<640x16xf32, #tpu.memory_space<hbm>>
      %dma_wait3A_39 = arith.constant 0 : i32
      %dma_wait3A_40 = tpu.memref_slice %arg14[%mul3A_13, %dma_wait3A_39] : memref<10240x16xf32, #tpu.memory_space<vmem_shared>> -> memref<640x16xf32, #tpu.memory_space<vmem_shared>>
      tpu.wait_dma2 semaphore(%run_scoped3A : memref<!tpu.dma_semaphore, #tpu.memory_space<semaphore_mem>>) src(%dma_wait3A_40 : memref<640x16xf32, #tpu.memory_space<vmem_shared>>) dst(%dma_wait3A_38 : memref<640x16xf32, #tpu.memory_space<hbm>>)
      tpu.yield
    }) : () -> ()
    return
  }
}

#map = affine_map<(d0, d1) -> (0, 0)>
#map1 = affine_map<(d0, d1) -> (0)>
#map2 = affine_map<(d0, d1) -> (0, 0, 0)>
module attributes {stable_mosaic.version = 14 : i64} {
  func.func @_agg_body(%arg0: i32, %arg1: i32, %arg2: memref<2x323584xi32, #tpu.memory_space<hbm>>, %arg3: memref<323584xi32, #tpu.memory_space<hbm>>, %arg4: memref<20000x64xf32, #tpu.memory_space<hbm>>, %arg5: memref<2x10240x64xf32, #tpu.memory_space<hbm>>, %arg6: memref<128xi32, #tpu.memory_space<vmem>>, %arg7: memref<128xi32, #tpu.memory_space<vmem>>, %arg8: memref<128x64xf32, #tpu.memory_space<vmem>>, %arg9: memref<128x64xf32, #tpu.memory_space<vmem>>, %arg10: memref<10240x64xf32, #tpu.memory_space<vmem_shared>>, %arg11: memref<!tpu.dma_semaphore, #tpu.memory_space<semaphore_mem>>) attributes {dimension_semantics = [#tpu.dimension_semantics<core_parallel>, #tpu.dimension_semantics<subcore_parallel>], iteration_bounds = array<i64: 2, 16>, scalar_prefetch = 0 : i64, scratch_operands = 6 : i64, tpu.core_type = #tpu.core_type<sc_vector_subcore>, window_params = [{transform_indices = #map}, {transform_indices = #map1}, {transform_indices = #map}, {transform_indices = #map2}]} {
    %scan3A = arith.constant 0 : i32
    %scan3A_0 = arith.constant 0 : i32
    %scan3A_1 = arith.constant 128 : i32
    %scan3A_2 = arith.addi %scan3A_0, %scan3A_1 : i32
    %scan3A_3 = arith.constant 1 : i32
    %scan3A_4 = scf.for %scan3A_26 = %scan3A_0 to %scan3A_2 step %scan3A_3 iter_args(%scan3A_27 = %scan3A) -> (i32)  : i32 {
      %broadcast_in_dim3A = arith.constant 0.000000e+00 : f32
      %broadcast_in_dim3A_28 = vector.broadcast %broadcast_in_dim3A : f32 to vector<16xf32>
      %swap3A = arith.index_cast %scan3A_26 : i32 to index
      %swap3A_29 = arith.constant 0 : index
      %swap3A_30 = tpu.vector_load %arg9[%swap3A, %swap3A_29] {strides = array<i32>} : memref<128x64xf32, #tpu.memory_space<vmem>>, vector<1x16xf32>,
      %swap3A_31 = vector.shape_cast %swap3A_30 : vector<1x16xf32> to vector<16xf32>
      %swap3A_32 = vector.shape_cast %broadcast_in_dim3A_28 : vector<16xf32> to vector<1x16xf32>
      tpu.vector_store %arg9[%swap3A, %swap3A_29], %swap3A_32 {strides = array<i32>} : memref<128x64xf32, #tpu.memory_space<vmem>>, vector<1x16xf32>,
      %broadcast_in_dim3A_33 = arith.constant 0.000000e+00 : f32
      %broadcast_in_dim3A_34 = vector.broadcast %broadcast_in_dim3A_33 : f32 to vector<16xf32>
      %swap3A_35 = arith.index_cast %scan3A_26 : i32 to index
      %swap3A_36 = arith.constant 16 : index
      %swap3A_37 = tpu.vector_load %arg9[%swap3A_35, %swap3A_36] {strides = array<i32>} : memref<128x64xf32, #tpu.memory_space<vmem>>, vector<1x16xf32>,
      %swap3A_38 = vector.shape_cast %swap3A_37 : vector<1x16xf32> to vector<16xf32>
      %swap3A_39 = vector.shape_cast %broadcast_in_dim3A_34 : vector<16xf32> to vector<1x16xf32>
      tpu.vector_store %arg9[%swap3A_35, %swap3A_36], %swap3A_39 {strides = array<i32>} : memref<128x64xf32, #tpu.memory_space<vmem>>, vector<1x16xf32>,
      %broadcast_in_dim3A_40 = arith.constant 0.000000e+00 : f32
      %broadcast_in_dim3A_41 = vector.broadcast %broadcast_in_dim3A_40 : f32 to vector<16xf32>
      %swap3A_42 = arith.index_cast %scan3A_26 : i32 to index
      %swap3A_43 = arith.constant 32 : index
      %swap3A_44 = tpu.vector_load %arg9[%swap3A_42, %swap3A_43] {strides = array<i32>} : memref<128x64xf32, #tpu.memory_space<vmem>>, vector<1x16xf32>,
      %swap3A_45 = vector.shape_cast %swap3A_44 : vector<1x16xf32> to vector<16xf32>
      %swap3A_46 = vector.shape_cast %broadcast_in_dim3A_41 : vector<16xf32> to vector<1x16xf32>
      tpu.vector_store %arg9[%swap3A_42, %swap3A_43], %swap3A_46 {strides = array<i32>} : memref<128x64xf32, #tpu.memory_space<vmem>>, vector<1x16xf32>,
      %broadcast_in_dim3A_47 = arith.constant 0.000000e+00 : f32
      %broadcast_in_dim3A_48 = vector.broadcast %broadcast_in_dim3A_47 : f32 to vector<16xf32>
      %swap3A_49 = arith.index_cast %scan3A_26 : i32 to index
      %swap3A_50 = arith.constant 48 : index
      %swap3A_51 = tpu.vector_load %arg9[%swap3A_49, %swap3A_50] {strides = array<i32>} : memref<128x64xf32, #tpu.memory_space<vmem>>, vector<1x16xf32>,
      %swap3A_52 = vector.shape_cast %swap3A_51 : vector<1x16xf32> to vector<16xf32>
      %swap3A_53 = vector.shape_cast %broadcast_in_dim3A_48 : vector<16xf32> to vector<1x16xf32>
      tpu.vector_store %arg9[%swap3A_49, %swap3A_50], %swap3A_53 {strides = array<i32>} : memref<128x64xf32, #tpu.memory_space<vmem>>, vector<1x16xf32>,
      %scan3A_54 = arith.constant 0 : i32
      scf.yield %scan3A_54 : i32
    }
    %scan3A_5 = arith.constant 128 : i32
    %mul3A = arith.constant 640 : i32
    %mul3A_6 = arith.muli %arg1, %mul3A : i32
    %scan3A_7 = arith.constant 0 : i32
    %scan3A_8 = arith.constant 0 : i32
    %scan3A_9 = arith.constant 5 : i32
    %scan3A_10 = arith.addi %scan3A_8, %scan3A_9 : i32
    %scan3A_11 = arith.constant 1 : i32
    %scan3A_12 = scf.for %scan3A_26 = %scan3A_8 to %scan3A_10 step %scan3A_11 iter_args(%scan3A_27 = %scan3A_7) -> (i32)  : i32 {
      %mul3A_28 = arith.constant 128 : i32
      %mul3A_29 = arith.muli %scan3A_26, %mul3A_28 : i32
      %add3A = arith.addi %mul3A_6, %mul3A_29 : i32
      "tpu.region"() ({
        %run_scoped3A = tpu.sem_alloc : memref<!tpu.dma_semaphore, #tpu.memory_space<semaphore_mem>>
        %dma_start3A = arith.constant 0 : i32
        %dma_start3A_31 = tpu.memref_slice %arg10[%add3A, %dma_start3A] : memref<10240x64xf32, #tpu.memory_space<vmem_shared>> -> memref<128x64xf32, #tpu.memory_space<vmem_shared>>
        %dma_start3A_32 = arith.constant 0 : i32
        %dma_start3A_33 = tpu.memref_slice %arg10[%add3A, %dma_start3A_32] : memref<10240x64xf32, #tpu.memory_space<vmem_shared>> -> memref<128x64xf32, #tpu.memory_space<vmem_shared>>
        tpu.enqueue_dma source(%arg9 : memref<128x64xf32, #tpu.memory_space<vmem>>) target(%dma_start3A_33 : memref<128x64xf32, #tpu.memory_space<vmem_shared>>) target_semaphore(%run_scoped3A : memref<!tpu.dma_semaphore, #tpu.memory_space<semaphore_mem>>)
        %dma_wait3A = arith.constant 0 : i32
        %dma_wait3A_34 = tpu.memref_slice %arg10[%add3A, %dma_wait3A] : memref<10240x64xf32, #tpu.memory_space<vmem_shared>> -> memref<128x64xf32, #tpu.memory_space<vmem_shared>>
        %dma_wait3A_35 = arith.constant 0 : i32
        %dma_wait3A_36 = tpu.memref_slice %arg10[%add3A, %dma_wait3A_35] : memref<10240x64xf32, #tpu.memory_space<vmem_shared>> -> memref<128x64xf32, #tpu.memory_space<vmem_shared>>
        tpu.wait_dma2 semaphore(%run_scoped3A : memref<!tpu.dma_semaphore, #tpu.memory_space<semaphore_mem>>) src(%arg9 : memref<128x64xf32, #tpu.memory_space<vmem>>) dst(%dma_wait3A_36 : memref<128x64xf32, #tpu.memory_space<vmem_shared>>)
        tpu.yield
      }) : () -> ()
      %scan3A_30 = arith.constant 0 : i32
      scf.yield %scan3A_30 : i32
    }
    %scan3A_13 = arith.constant 5 : i32
    %barrier3A = arith.constant 0 : index
    tpu.barrier barrier_id(%barrier3A)
    %mul3A_14 = arith.constant 20224 : i32
    %mul3A_15 = arith.muli %arg1, %mul3A_14 : i32
    %mul3A_16 = arith.constant 79 : i32
    %mul3A_17 = arith.muli %arg0, %mul3A_16 : i32
    %scan3A_18 = arith.constant 0 : i32
    %scan3A_19 = arith.constant 0 : i32
    %scan3A_20 = arith.constant 158 : i32
    %scan3A_21 = arith.addi %scan3A_19, %scan3A_20 : i32
    %scan3A_22 = arith.constant 1 : i32
    %scan3A_23 = scf.for %scan3A_26 = %scan3A_19 to %scan3A_21 step %scan3A_22 iter_args(%scan3A_27 = %scan3A_18) -> (i32)  : i32 {
      %mul3A_28 = arith.constant 128 : i32
      %mul3A_29 = arith.muli %scan3A_26, %mul3A_28 : i32
      %add3A = arith.addi %mul3A_15, %mul3A_29 : i32
      "tpu.region"() ({
        %run_scoped3A = tpu.sem_alloc : memref<!tpu.dma_semaphore, #tpu.memory_space<semaphore_mem>>
        %dma_start3A_35 = tpu.memref_slice %arg2[%arg0, %add3A] : memref<2x323584xi32, #tpu.memory_space<hbm>> -> memref<1x128xi32, #tpu.memory_space<hbm>>
        %dma_start3A_36 = tpu.memref_squeeze %dma_start3A_35 : memref<1x128xi32, #tpu.memory_space<hbm>> -> memref<128xi32, #tpu.memory_space<hbm>>
        %dma_start3A_37 = tpu.memref_slice %arg2[%arg0, %add3A] : memref<2x323584xi32, #tpu.memory_space<hbm>> -> memref<1x128xi32, #tpu.memory_space<hbm>>
        %dma_start3A_38 = tpu.memref_squeeze %dma_start3A_37 : memref<1x128xi32, #tpu.memory_space<hbm>> -> memref<128xi32, #tpu.memory_space<hbm>>
        tpu.enqueue_dma source(%dma_start3A_38 : memref<128xi32, #tpu.memory_space<hbm>>) target(%arg6 : memref<128xi32, #tpu.memory_space<vmem>>) target_semaphore(%run_scoped3A : memref<!tpu.dma_semaphore, #tpu.memory_space<semaphore_mem>>)
        %dma_wait3A_39 = tpu.memref_slice %arg2[%arg0, %add3A] : memref<2x323584xi32, #tpu.memory_space<hbm>> -> memref<1x128xi32, #tpu.memory_space<hbm>>
        %dma_wait3A_40 = tpu.memref_squeeze %dma_wait3A_39 : memref<1x128xi32, #tpu.memory_space<hbm>> -> memref<128xi32, #tpu.memory_space<hbm>>
        %dma_wait3A_41 = tpu.memref_slice %arg2[%arg0, %add3A] : memref<2x323584xi32, #tpu.memory_space<hbm>> -> memref<1x128xi32, #tpu.memory_space<hbm>>
        %dma_wait3A_42 = tpu.memref_squeeze %dma_wait3A_41 : memref<1x128xi32, #tpu.memory_space<hbm>> -> memref<128xi32, #tpu.memory_space<hbm>>
        tpu.wait_dma2 semaphore(%run_scoped3A : memref<!tpu.dma_semaphore, #tpu.memory_space<semaphore_mem>>) src(%dma_wait3A_42 : memref<128xi32, #tpu.memory_space<hbm>>) dst(%arg6 : memref<128xi32, #tpu.memory_space<vmem>>)
        tpu.yield
      }) : () -> ()
      "tpu.region"() ({
        %run_scoped3A = tpu.sem_alloc : memref<!tpu.dma_semaphore, #tpu.memory_space<semaphore_mem>>
        %dma_start3A_35 = tpu.memref_slice %arg3[%add3A] : memref<323584xi32, #tpu.memory_space<hbm>> -> memref<128xi32, #tpu.memory_space<hbm>>
        %dma_start3A_36 = tpu.memref_slice %arg3[%add3A] : memref<323584xi32, #tpu.memory_space<hbm>> -> memref<128xi32, #tpu.memory_space<hbm>>
        tpu.enqueue_dma source(%dma_start3A_36 : memref<128xi32, #tpu.memory_space<hbm>>) target(%arg7 : memref<128xi32, #tpu.memory_space<vmem>>) target_semaphore(%run_scoped3A : memref<!tpu.dma_semaphore, #tpu.memory_space<semaphore_mem>>)
        %dma_wait3A_37 = tpu.memref_slice %arg3[%add3A] : memref<323584xi32, #tpu.memory_space<hbm>> -> memref<128xi32, #tpu.memory_space<hbm>>
        %dma_wait3A_38 = tpu.memref_slice %arg3[%add3A] : memref<323584xi32, #tpu.memory_space<hbm>> -> memref<128xi32, #tpu.memory_space<hbm>>
        tpu.wait_dma2 semaphore(%run_scoped3A : memref<!tpu.dma_semaphore, #tpu.memory_space<semaphore_mem>>) src(%dma_wait3A_38 : memref<128xi32, #tpu.memory_space<hbm>>) dst(%arg7 : memref<128xi32, #tpu.memory_space<vmem>>)
        tpu.yield
      }) : () -> ()
      %dma_start3A = arith.constant 0 : i32
      %dma_start3A_30 = arith.constant 0 : i32
      %dma_start3A_31 = tpu.memref_slice %arg4[%dma_start3A, %dma_start3A_30] : memref<20000x64xf32, #tpu.memory_space<hbm>> -> memref<20000x64xf32, #tpu.memory_space<hbm>>
      tpu.enqueue_indirect_dma source(%dma_start3A_31 : memref<20000x64xf32, #tpu.memory_space<hbm>>) target(%arg8 : memref<128x64xf32, #tpu.memory_space<vmem>>) offsets(%arg6 : memref<128xi32, #tpu.memory_space<vmem>>) semaphore(%arg11 : memref<!tpu.dma_semaphore, #tpu.memory_space<semaphore_mem>>)
      %dma_wait3A = arith.constant 0 : i32
      %dma_wait3A_32 = arith.constant 0 : i32
      %dma_wait3A_33 = tpu.memref_slice %arg4[%dma_wait3A, %dma_wait3A_32] : memref<20000x64xf32, #tpu.memory_space<hbm>> -> memref<20000x64xf32, #tpu.memory_space<hbm>>
      tpu.wait_indirect_dma semaphore(%arg11 : memref<!tpu.dma_semaphore, #tpu.memory_space<semaphore_mem>>) src(%dma_wait3A_33 : memref<20000x64xf32, #tpu.memory_space<hbm>>) dst(%arg8 : memref<128x64xf32, #tpu.memory_space<vmem>>)
      "tpu.region"() ({
        %run_scoped3A = tpu.sem_alloc : memref<!tpu.dma_semaphore, #tpu.memory_space<semaphore_mem>>
        %dma_start3A_35 = arith.constant 0 : i32
        %dma_start3A_36 = arith.constant 0 : i32
        %dma_start3A_37 = tpu.memref_slice %arg10[%dma_start3A_35, %dma_start3A_36] : memref<10240x64xf32, #tpu.memory_space<vmem_shared>> -> memref<10240x64xf32, #tpu.memory_space<vmem_shared>>
        tpu.enqueue_indirect_dma source(%arg8 : memref<128x64xf32, #tpu.memory_space<vmem>>) target(%dma_start3A_37 : memref<10240x64xf32, #tpu.memory_space<vmem_shared>>) offsets(%arg7 : memref<128xi32, #tpu.memory_space<vmem>>) semaphore(%run_scoped3A : memref<!tpu.dma_semaphore, #tpu.memory_space<semaphore_mem>>) {add = true}
        %dma_wait3A_38 = arith.constant 0 : i32
        %dma_wait3A_39 = arith.constant 0 : i32
        %dma_wait3A_40 = tpu.memref_slice %arg10[%dma_wait3A_38, %dma_wait3A_39] : memref<10240x64xf32, #tpu.memory_space<vmem_shared>> -> memref<10240x64xf32, #tpu.memory_space<vmem_shared>>
        tpu.wait_indirect_dma semaphore(%run_scoped3A : memref<!tpu.dma_semaphore, #tpu.memory_space<semaphore_mem>>) src(%arg8 : memref<128x64xf32, #tpu.memory_space<vmem>>) dst(%dma_wait3A_40 : memref<10240x64xf32, #tpu.memory_space<vmem_shared>>)
        tpu.yield
      }) : () -> ()
      %scan3A_34 = arith.constant 0 : i32
      scf.yield %scan3A_34 : i32
    }
    %scan3A_24 = arith.constant 158 : i32
    %barrier3A_25 = arith.constant 0 : index
    tpu.barrier barrier_id(%barrier3A_25)
    "tpu.region"() ({
      %run_scoped3A = tpu.sem_alloc : memref<!tpu.dma_semaphore, #tpu.memory_space<semaphore_mem>>
      %dma_start3A = arith.constant 0 : i32
      %dma_start3A_26 = tpu.memref_slice %arg5[%arg0, %mul3A_6, %dma_start3A] : memref<2x10240x64xf32, #tpu.memory_space<hbm>> -> memref<1x640x64xf32, #tpu.memory_space<hbm>>
      %dma_start3A_27 = tpu.memref_squeeze %dma_start3A_26 : memref<1x640x64xf32, #tpu.memory_space<hbm>> -> memref<640x64xf32, #tpu.memory_space<hbm>>
      %dma_start3A_28 = arith.constant 0 : i32
      %dma_start3A_29 = tpu.memref_slice %arg10[%mul3A_6, %dma_start3A_28] : memref<10240x64xf32, #tpu.memory_space<vmem_shared>> -> memref<640x64xf32, #tpu.memory_space<vmem_shared>>
      tpu.enqueue_dma source(%dma_start3A_29 : memref<640x64xf32, #tpu.memory_space<vmem_shared>>) target(%dma_start3A_27 : memref<640x64xf32, #tpu.memory_space<hbm>>) target_semaphore(%run_scoped3A : memref<!tpu.dma_semaphore, #tpu.memory_space<semaphore_mem>>)
      %dma_wait3A = arith.constant 0 : i32
      %dma_wait3A_30 = tpu.memref_slice %arg5[%arg0, %mul3A_6, %dma_wait3A] : memref<2x10240x64xf32, #tpu.memory_space<hbm>> -> memref<1x640x64xf32, #tpu.memory_space<hbm>>
      %dma_wait3A_31 = tpu.memref_squeeze %dma_wait3A_30 : memref<1x640x64xf32, #tpu.memory_space<hbm>> -> memref<640x64xf32, #tpu.memory_space<hbm>>
      %dma_wait3A_32 = arith.constant 0 : i32
      %dma_wait3A_33 = tpu.memref_slice %arg10[%mul3A_6, %dma_wait3A_32] : memref<10240x64xf32, #tpu.memory_space<vmem_shared>> -> memref<640x64xf32, #tpu.memory_space<vmem_shared>>
      tpu.wait_dma2 semaphore(%run_scoped3A : memref<!tpu.dma_semaphore, #tpu.memory_space<semaphore_mem>>) src(%dma_wait3A_33 : memref<640x64xf32, #tpu.memory_space<vmem_shared>>) dst(%dma_wait3A_31 : memref<640x64xf32, #tpu.memory_space<hbm>>)
      tpu.yield
    }) : () -> ()
    return
  }
}

module attributes {stable_mosaic.version = 14 : i64} {
  func.func @_fuse1_body(%arg0: memref<10000x128xf32, #tpu.memory_space<vmem>>, %arg1: memref<10000x64xf32, #tpu.memory_space<vmem>>, %arg2: memref<10000x64xf32, #tpu.memory_space<vmem>>, %arg3: memref<10000x16xf32, #tpu.memory_space<vmem>>, %arg4: memref<10000x16xf32, #tpu.memory_space<vmem>>, %arg5: memref<128x128xf32, #tpu.memory_space<vmem>>, %arg6: memref<1x128xf32, #tpu.memory_space<vmem>>, %arg7: memref<128x128xf32, #tpu.memory_space<vmem>>, %arg8: memref<10000x128xf32, #tpu.memory_space<vmem>>) attributes {dimension_semantics = [], scalar_prefetch = 0 : i64, scratch_operands = 0 : i64, tpu.core_type = #tpu.core_type<tc>} {
    %get3A = arith.constant 0 : index
    %get3A_0 = arith.constant 0 : index
    %get3A_1 = vector.load %arg3[%get3A, %get3A_0] : memref<10000x16xf32, #tpu.memory_space<vmem>>, vector<10000x16xf32>
    %get3A_2 = arith.constant 0 : index
    %get3A_3 = arith.constant 0 : index
    %get3A_4 = vector.load %arg4[%get3A_2, %get3A_3] : memref<10000x16xf32, #tpu.memory_space<vmem>>, vector<10000x16xf32>
    %get3A_5 = arith.constant 0 : index
    %get3A_6 = arith.constant 0 : index
    %get3A_7 = vector.load %arg5[%get3A_5, %get3A_6] : memref<128x128xf32, #tpu.memory_space<vmem>>, vector<128x128xf32>
    %slice3A = vector.extract_strided_slice %get3A_1 {offsets = [0, 0], sizes = [10000, 1], strides = [1, 1]} : vector<10000x16xf32> to vector<10000x1xf32>
    %slice3A_8 = vector.extract_strided_slice %get3A_4 {offsets = [0, 0], sizes = [10000, 1], strides = [1, 1]} : vector<10000x16xf32> to vector<10000x1xf32>
    %add3A = arith.addf %slice3A, %slice3A_8 : vector<10000x1xf32>
    %max3A = arith.constant 1.000000e+00 : f32
    %max3A_9 = vector.broadcast %max3A : f32 to vector<10000x1xf32>
    %max3A_10 = arith.maximumf %add3A, %max3A_9 : vector<10000x1xf32>
    %div3A = arith.constant 1.000000e+00 : f32
    %div3A_11 = vector.broadcast %div3A : f32 to vector<10000x1xf32>
    %div3A_12 = arith.divf %div3A_11, %max3A_10 : vector<10000x1xf32>
    %get3A_13 = arith.constant 0 : index
    %get3A_14 = arith.constant 0 : index
    %get3A_15 = vector.load %arg1[%get3A_13, %get3A_14] : memref<10000x64xf32, #tpu.memory_space<vmem>>, vector<10000x64xf32>
    %mul3A = vector.broadcast %div3A_12 : vector<10000x1xf32> to vector<10000x64xf32>
    %mul3A_16 = arith.mulf %get3A_15, %mul3A : vector<10000x64xf32>
    %slice3A_17 = vector.extract_strided_slice %get3A_7 {offsets = [0, 0], sizes = [128, 64], strides = [1, 1]} : vector<128x128xf32> to vector<128x64xf32>
    %dot_general3A = arith.constant dense<0.000000e+00> : vector<10000x128xf32>
    %dot_general3A_18 = tpu.matmul %mul3A_16, %slice3A_17, %dot_general3A {dimension_numbers = #tpu.dot_dimension_numbers<[1], [1], [0], [0], [0, 0, 1, 0], [], []>, transpose_lhs_hint = false} : vector<10000x64xf32>, vector<128x64xf32>, vector<10000x128xf32> -> vector<10000x128xf32>
    %get3A_19 = arith.constant 0 : index
    %get3A_20 = arith.constant 0 : index
    %get3A_21 = vector.load %arg2[%get3A_19, %get3A_20] : memref<10000x64xf32, #tpu.memory_space<vmem>>, vector<10000x64xf32>
    %mul3A_22 = vector.broadcast %div3A_12 : vector<10000x1xf32> to vector<10000x64xf32>
    %mul3A_23 = arith.mulf %get3A_21, %mul3A_22 : vector<10000x64xf32>
    %slice3A_24 = vector.extract_strided_slice %get3A_7 {offsets = [0, 64], sizes = [128, 64], strides = [1, 1]} : vector<128x128xf32> to vector<128x64xf32>
    %dot_general3A_25 = arith.constant dense<0.000000e+00> : vector<10000x128xf32>
    %dot_general3A_26 = tpu.matmul %mul3A_23, %slice3A_24, %dot_general3A_25 {dimension_numbers = #tpu.dot_dimension_numbers<[1], [1], [0], [0], [0, 0, 1, 0], [], []>, transpose_lhs_hint = false} : vector<10000x64xf32>, vector<128x64xf32>, vector<10000x128xf32> -> vector<10000x128xf32>
    %add3A_27 = arith.addf %dot_general3A_18, %dot_general3A_26 : vector<10000x128xf32>
    %get3A_28 = arith.constant 0 : index
    %get3A_29 = arith.constant 0 : index
    %get3A_30 = vector.load %arg6[%get3A_28, %get3A_29] : memref<1x128xf32, #tpu.memory_space<vmem>>, vector<1x128xf32>
    %add3A_31 = vector.broadcast %get3A_30 : vector<1x128xf32> to vector<10000x128xf32>
    %add3A_32 = arith.addf %add3A_27, %add3A_31 : vector<10000x128xf32>
    %get3A_33 = arith.constant 0 : index
    %get3A_34 = arith.constant 0 : index
    %get3A_35 = vector.load %arg0[%get3A_33, %get3A_34] : memref<10000x128xf32, #tpu.memory_space<vmem>>, vector<10000x128xf32>
    %get3A_36 = arith.constant 0 : index
    %get3A_37 = arith.constant 0 : index
    %get3A_38 = vector.load %arg7[%get3A_36, %get3A_37] : memref<128x128xf32, #tpu.memory_space<vmem>>, vector<128x128xf32>
    %dot_general3A_39 = arith.constant dense<0.000000e+00> : vector<10000x128xf32>
    %dot_general3A_40 = tpu.matmul %get3A_35, %get3A_38, %dot_general3A_39 {dimension_numbers = #tpu.dot_dimension_numbers<[1], [1], [0], [0], [0, 0, 1, 0], [], []>, transpose_lhs_hint = false} : vector<10000x128xf32>, vector<128x128xf32>, vector<10000x128xf32> -> vector<10000x128xf32>
    %add3A_41 = arith.addf %add3A_32, %dot_general3A_40 : vector<10000x128xf32>
    %max3A_42 = arith.constant 0.000000e+00 : f32
    %max3A_43 = vector.broadcast %max3A_42 : f32 to vector<10000x128xf32>
    %max3A_44 = arith.maximumf %add3A_41, %max3A_43 : vector<10000x128xf32>
    %swap3A = arith.constant 0 : index
    %swap3A_45 = arith.constant 0 : index
    %swap3A_46 = vector.load %arg8[%swap3A, %swap3A_45] : memref<10000x128xf32, #tpu.memory_space<vmem>>, vector<10000x128xf32>
    tpu.vector_store %arg8[%swap3A, %swap3A_45], %max3A_44 {strides = array<i32>} : memref<10000x128xf32, #tpu.memory_space<vmem>>, vector<10000x128xf32>,
    return
  }
}

module attributes {stable_mosaic.version = 14 : i64} {
  func.func @_fuse2_body(%arg0: memref<10000x128xf32, #tpu.memory_space<vmem>>, %arg1: memref<10000x64xf32, #tpu.memory_space<vmem>>, %arg2: memref<10000x64xf32, #tpu.memory_space<vmem>>, %arg3: memref<10000x16xf32, #tpu.memory_space<vmem>>, %arg4: memref<10000x16xf32, #tpu.memory_space<vmem>>, %arg5: memref<128x128xf32, #tpu.memory_space<vmem>>, %arg6: memref<1x128xf32, #tpu.memory_space<vmem>>, %arg7: memref<128x128xf32, #tpu.memory_space<vmem>>, %arg8: memref<128x128xf32, #tpu.memory_space<vmem>>, %arg9: memref<1x128xf32, #tpu.memory_space<vmem>>, %arg10: memref<10000x128xf32, #tpu.memory_space<vmem>>) attributes {dimension_semantics = [], scalar_prefetch = 0 : i64, scratch_operands = 0 : i64, tpu.core_type = #tpu.core_type<tc>} {
    %get3A = arith.constant 0 : index
    %get3A_0 = arith.constant 0 : index
    %get3A_1 = vector.load %arg3[%get3A, %get3A_0] : memref<10000x16xf32, #tpu.memory_space<vmem>>, vector<10000x16xf32>
    %get3A_2 = arith.constant 0 : index
    %get3A_3 = arith.constant 0 : index
    %get3A_4 = vector.load %arg4[%get3A_2, %get3A_3] : memref<10000x16xf32, #tpu.memory_space<vmem>>, vector<10000x16xf32>
    %get3A_5 = arith.constant 0 : index
    %get3A_6 = arith.constant 0 : index
    %get3A_7 = vector.load %arg5[%get3A_5, %get3A_6] : memref<128x128xf32, #tpu.memory_space<vmem>>, vector<128x128xf32>
    %slice3A = vector.extract_strided_slice %get3A_1 {offsets = [0, 0], sizes = [10000, 1], strides = [1, 1]} : vector<10000x16xf32> to vector<10000x1xf32>
    %slice3A_8 = vector.extract_strided_slice %get3A_4 {offsets = [0, 0], sizes = [10000, 1], strides = [1, 1]} : vector<10000x16xf32> to vector<10000x1xf32>
    %add3A = arith.addf %slice3A, %slice3A_8 : vector<10000x1xf32>
    %max3A = arith.constant 1.000000e+00 : f32
    %max3A_9 = vector.broadcast %max3A : f32 to vector<10000x1xf32>
    %max3A_10 = arith.maximumf %add3A, %max3A_9 : vector<10000x1xf32>
    %div3A = arith.constant 1.000000e+00 : f32
    %div3A_11 = vector.broadcast %div3A : f32 to vector<10000x1xf32>
    %div3A_12 = arith.divf %div3A_11, %max3A_10 : vector<10000x1xf32>
    %get3A_13 = arith.constant 0 : index
    %get3A_14 = arith.constant 0 : index
    %get3A_15 = vector.load %arg1[%get3A_13, %get3A_14] : memref<10000x64xf32, #tpu.memory_space<vmem>>, vector<10000x64xf32>
    %mul3A = vector.broadcast %div3A_12 : vector<10000x1xf32> to vector<10000x64xf32>
    %mul3A_16 = arith.mulf %get3A_15, %mul3A : vector<10000x64xf32>
    %slice3A_17 = vector.extract_strided_slice %get3A_7 {offsets = [0, 0], sizes = [128, 64], strides = [1, 1]} : vector<128x128xf32> to vector<128x64xf32>
    %dot_general3A = arith.constant dense<0.000000e+00> : vector<10000x128xf32>
    %dot_general3A_18 = tpu.matmul %mul3A_16, %slice3A_17, %dot_general3A {dimension_numbers = #tpu.dot_dimension_numbers<[1], [1], [0], [0], [0, 0, 1, 0], [], []>, transpose_lhs_hint = false} : vector<10000x64xf32>, vector<128x64xf32>, vector<10000x128xf32> -> vector<10000x128xf32>
    %get3A_19 = arith.constant 0 : index
    %get3A_20 = arith.constant 0 : index
    %get3A_21 = vector.load %arg2[%get3A_19, %get3A_20] : memref<10000x64xf32, #tpu.memory_space<vmem>>, vector<10000x64xf32>
    %mul3A_22 = vector.broadcast %div3A_12 : vector<10000x1xf32> to vector<10000x64xf32>
    %mul3A_23 = arith.mulf %get3A_21, %mul3A_22 : vector<10000x64xf32>
    %slice3A_24 = vector.extract_strided_slice %get3A_7 {offsets = [0, 64], sizes = [128, 64], strides = [1, 1]} : vector<128x128xf32> to vector<128x64xf32>
    %dot_general3A_25 = arith.constant dense<0.000000e+00> : vector<10000x128xf32>
    %dot_general3A_26 = tpu.matmul %mul3A_23, %slice3A_24, %dot_general3A_25 {dimension_numbers = #tpu.dot_dimension_numbers<[1], [1], [0], [0], [0, 0, 1, 0], [], []>, transpose_lhs_hint = false} : vector<10000x64xf32>, vector<128x64xf32>, vector<10000x128xf32> -> vector<10000x128xf32>
    %add3A_27 = arith.addf %dot_general3A_18, %dot_general3A_26 : vector<10000x128xf32>
    %get3A_28 = arith.constant 0 : index
    %get3A_29 = arith.constant 0 : index
    %get3A_30 = vector.load %arg6[%get3A_28, %get3A_29] : memref<1x128xf32, #tpu.memory_space<vmem>>, vector<1x128xf32>
    %add3A_31 = vector.broadcast %get3A_30 : vector<1x128xf32> to vector<10000x128xf32>
    %add3A_32 = arith.addf %add3A_27, %add3A_31 : vector<10000x128xf32>
    %get3A_33 = arith.constant 0 : index
    %get3A_34 = arith.constant 0 : index
    %get3A_35 = vector.load %arg0[%get3A_33, %get3A_34] : memref<10000x128xf32, #tpu.memory_space<vmem>>, vector<10000x128xf32>
    %get3A_36 = arith.constant 0 : index
    %get3A_37 = arith.constant 0 : index
    %get3A_38 = vector.load %arg7[%get3A_36, %get3A_37] : memref<128x128xf32, #tpu.memory_space<vmem>>, vector<128x128xf32>
    %dot_general3A_39 = arith.constant dense<0.000000e+00> : vector<10000x128xf32>
    %dot_general3A_40 = tpu.matmul %get3A_35, %get3A_38, %dot_general3A_39 {dimension_numbers = #tpu.dot_dimension_numbers<[1], [1], [0], [0], [0, 0, 1, 0], [], []>, transpose_lhs_hint = false} : vector<10000x128xf32>, vector<128x128xf32>, vector<10000x128xf32> -> vector<10000x128xf32>
    %add3A_41 = arith.addf %add3A_32, %dot_general3A_40 : vector<10000x128xf32>
    %max3A_42 = arith.constant 0.000000e+00 : f32
    %max3A_43 = vector.broadcast %max3A_42 : f32 to vector<10000x128xf32>
    %max3A_44 = arith.maximumf %add3A_41, %max3A_43 : vector<10000x128xf32>
    %get3A_45 = arith.constant 0 : index
    %get3A_46 = arith.constant 0 : index
    %get3A_47 = vector.load %arg8[%get3A_45, %get3A_46] : memref<128x128xf32, #tpu.memory_space<vmem>>, vector<128x128xf32>
    %dot_general3A_48 = arith.constant dense<0.000000e+00> : vector<10000x128xf32>
    %dot_general3A_49 = tpu.matmul %max3A_44, %get3A_47, %dot_general3A_48 {dimension_numbers = #tpu.dot_dimension_numbers<[1], [1], [0], [0], [0, 0, 1, 0], [], []>, transpose_lhs_hint = false} : vector<10000x128xf32>, vector<128x128xf32>, vector<10000x128xf32> -> vector<10000x128xf32>
    %get3A_50 = arith.constant 0 : index
    %get3A_51 = arith.constant 0 : index
    %get3A_52 = vector.load %arg9[%get3A_50, %get3A_51] : memref<1x128xf32, #tpu.memory_space<vmem>>, vector<1x128xf32>
    %add3A_53 = vector.broadcast %get3A_52 : vector<1x128xf32> to vector<10000x128xf32>
    %add3A_54 = arith.addf %dot_general3A_49, %add3A_53 : vector<10000x128xf32>
    %swap3A = arith.constant 0 : index
    %swap3A_55 = arith.constant 0 : index
    %swap3A_56 = vector.load %arg10[%swap3A, %swap3A_55] : memref<10000x128xf32, #tpu.memory_space<vmem>>, vector<10000x128xf32>
    tpu.vector_store %arg10[%swap3A, %swap3A_55], %add3A_54 {strides = array<i32>} : memref<10000x128xf32, #tpu.memory_space<vmem>>, vector<10000x128xf32>,
    return
  }
}

</mosaic_0001>

<sc_bundles>
// kernel: kernel.6.cloned.1.call-start
scs
__scs_entry_jumppad:
0x0: {  	(pc) =	sbr.rel $0x88, $3  }
0x1: {  	(tag) =	ssettag $0x0;
	lr =	simm.s32 $0x1  }
0x2: {  	[smem:$0x3F97] =	sst lr;
	_ =	strace $0xD0000000  }
0x3: {  	_ = 	snop  }
0x4: {  	_ = 	snop  }
0x5: {  	_ = 	snop  }
0x6: {  	_ = 	snop  }
0x7: {  	_ = 	snop  }
__scs_overlays_trampoline_lowered:
0x8: {  	[smem:$0x3FA6] =	sst s0  }
0x9: {  	[smem:$0x3FA7] =	sst s1  }
0xa: {  	[smem:$0x3FA8] =	sst s2  }
0xb: {  	[smem:$0x3FA9] =	sst s3  }
0xc: {  	[smem:$0x3FAA] =	sst s4  }
0xd: {  	[smem:$0x3FAB] =	sst s5  }
0xe: {  	[smem:$0x3FAC] =	sst s6  }
0xf: {  	[smem:$0x3FAD] =	sst s7  }
0x10: {  	[smem:$0x3FAE] =	sst s8  }
0x11: {  	[smem:$0x3FAF] =	sst s9;
	s0 =	simm.s32 @!p0 $0x0  }
0x12: {  	s1 =	sld [smem:$0x3F95];
	s0 =	simm.s32 @p0 $0x1  }
0x13: {  	[smem:$0x3FB0] =	sst s0;
	s0 =	simm.s32 @!p1 $0x0  }
0x14: {  	s2 =	sld [smem:$0x3F94];
	s0 =	simm.s32 @p1 $0x1  }
0x15: {  	[smem:$0x3FB1] =	sst s0;
	s0 =	simm.s32 @!p2 $0x0  }
0x16: {  	s3 =	sld [smem:$0x3FDB];
	s0 =	simm.s32 @p2 $0x1  }
0x17: {  	s4 =	simm.s32 $0x1BF5;
	[smem:$0x3FB3] =	sst s0  }
0x18: {  	s0 =	sld [smem:$0x3F96];
	_ =	swait.ge [sflag:s4], $0x0  }
0x19: {  	s7 =	sld [smem:$0x3F97]  }
0x1a: {  	s8 =	sadd.s32 $0xFFFFE003, lr  }
0x1b: {  	s9 =	sadd.s32 $0xFFFFFEF7, lr;
	s5 =	simm.s32 $0xFFFFFFFF;
	p2 =	slt.u32 s8, $0xFFFFF086  }
0x1c: {  	p1 =	slt.u32 s9, $0xF7A;
	s5 =	simm.s32 @!p2 $0x0  }
0x1d: {  	s5 =	simm.s32 @p1 $0x1;
	p0 =	seq.s32 s7, s2  }
0x1e: {  	s7 =	smul.u32 @!p0 $0xF7A, s2;
	p2 =	seq.s32 @!p0 s5, $0x0  }
0x1f: {  	s9 =	smul.u32 $0xF7A, s1;
	s8 =	simm.s32 @!p0 $0x1BF5;
	p2 =	por !p2, p0  }
0x20: {  	[sflag:s8] =	ssyncset.s32 @!p0 $0xFFFFF086;
	s6 =	sadd.s32 @!p0 s3, s7;
	s7 =	simm.s32 @!p0 $0x108  }
0x21: {  	s3 =	sadd.s32 s3, s9;
	s6 =	sadd.s32 @!p0 $0x88, s6;
	s7 =	simm.s32 @p2 $0x1082  }
0x22: {  	[simem:s7], [sflag:s8] =	dma.local @!p0 [hbm:s6], $0xF7A  }
0x23: {  	s9 =	sor.u32 $0xD0000000, s2;
	s6 =	simm.s32 $0x108;
	_ =	swait.ge @!p0 [sflag:s8], $0x0  }
0x24: {  	s3 =	sadd.s32 $0x88, s3;
	s6 =	simm.s32 @!p1 $0x1082;
	[sflag:s4] =	ssyncset.s32 $0xFFFFF086  }
0x25: {  	[simem:s6], [sflag:s4] =	dma.local [hbm:s3], $0xF7A  }
0x26: {  	[smem:$0x3F97] =	sst s1;
	(tag) =	ssettag s2;
	_ =	strace s9  }
0x27: {  	s1 =	sld [smem:$0x3FA7]  }
0x28: {  	s2 =	sld [smem:$0x3FA8]  }
0x29: {  	s4 =	sld [smem:$0x3FAA]  }
0x2a: {  	p0 =	seq.s32 s5, $0x0;
	s5 =	sld [smem:$0x3FAB]  }
0x2b: {  	s6 =	sld [smem:$0x3FAC]  }
0x2c: {  	s7 =	sld [smem:$0x3FAD]  }
0x2d: {  	s3 =	simm.s32 $0x108;
	s8 =	sld [smem:$0x3FAE]  }
0x2e: {  	s3 =	simm.s32 @!p0 $0x1082;
	s9 =	sld [smem:$0x3FAF]  }
0x2f: {  	lr =	sadd.s32 s0, s3;
	s0 =	sld [smem:$0x3FA6]  }
0x30: {  	s3 =	sld [smem:$0x3FA9]  }
0x31: {  	[smem:$0x3FB2] =	sst s10  }
0x32: {  	s10 =	sld [smem:$0x3FB0];
	_ =	sdelay $0x3  }
0x33: {  	p0 =	seq.s32 s10, $0x1;
	s10 =	sld [smem:$0x3FB2];
	_ =	sdelay $0x3  }
0x34: {  	[smem:$0x3FB2] =	sst s10  }
0x35: {  	s10 =	sld [smem:$0x3FB1];
	_ =	sdelay $0x3  }
0x36: {  	p1 =	seq.s32 s10, $0x1;
	s10 =	sld [smem:$0x3FB2];
	_ =	sdelay $0x3  }
0x37: {  	[smem:$0x3FB2] =	sst s10  }
0x38: {  	s10 =	sld [smem:$0x3FB3]  }
0x39: {  	_ = 	snop;
	(pc) =	sbr.ind lr, $3  }
0x3a: {  	_ = 	snop  }
0x3b: {  	_ = 	snop  }
0x3c: {  	p2 =	seq.s32 s10, $0x1;
	s10 =	sld [smem:$0x3FB2]  }
0x3d: {  	_ =	shalt  }
0x3e: {  	_ =	shalt  }
0x3f: {  	_ =	shalt  }
0x40: {  	_ =	shalt  }
0x41: {  	_ =	shalt  }
0x42: {  	_ =	shalt  }
0x43: {  	_ =	shalt  }
0x44: {  	_ =	shalt  }
0x45: {  	_ =	shalt  }
0x46: {  	_ =	shalt  }
0x47: {  	_ =	shalt  }
0x48: {  	_ =	shalt  }
0x49: {  	_ =	shalt  }
0x4a: {  	_ =	shalt  }
0x4b: {  	_ =	shalt  }
0x4c: {  	_ =	shalt  }
0x4d: {  	_ =	shalt  }
0x4e: {  	_ =	shalt  }
0x4f: {  	_ =	shalt  }
0x50: {  	_ =	shalt  }
0x51: {  	_ =	shalt  }
0x52: {  	_ =	shalt  }
0x53: {  	_ =	shalt  }
0x54: {  	_ =	shalt  }
0x55: {  	_ =	shalt  }
0x56: {  	_ =	shalt  }
0x57: {  	_ =	shalt  }
0x58: {  	_ =	shalt  }
0x59: {  	_ =	shalt  }
0x5a: {  	_ =	shalt  }
0x5b: {  	_ =	shalt  }
0x5c: {  	_ =	shalt  }
0x5d: {  	_ =	shalt  }
0x5e: {  	_ =	shalt  }
0x5f: {  	_ =	shalt  }
0x60: {  	_ =	shalt  }
0x61: {  	_ =	shalt  }
0x62: {  	_ =	shalt  }
0x63: {  	_ =	shalt  }
0x64: {  	_ =	shalt  }
0x65: {  	_ =	shalt  }
0x66: {  	_ =	shalt  }
0x67: {  	_ =	shalt  }
0x68: {  	_ =	shalt  }
0x69: {  	_ =	shalt  }
0x6a: {  	_ =	shalt  }
0x6b: {  	_ =	shalt  }
0x6c: {  	_ =	shalt  }
0x6d: {  	_ =	shalt  }
0x6e: {  	_ =	shalt  }
0x6f: {  	_ =	shalt  }
0x70: {  	_ =	shalt  }
0x71: {  	_ =	shalt  }
0x72: {  	_ =	shalt  }
0x73: {  	_ =	shalt  }
0x74: {  	_ =	shalt  }
0x75: {  	_ =	shalt  }
0x76: {  	_ =	shalt  }
0x77: {  	_ =	shalt  }
0x78: {  	_ =	shalt  }
0x79: {  	_ =	shalt  }
0x7a: {  	_ =	shalt  }
0x7b: {  	_ =	shalt  }
0x7c: {  	_ =	shalt  }
0x7d: {  	_ =	shalt  }
0x7e: {  	_ =	shalt  }
0x7f: {  	_ =	shalt  }
0x80: {  	_ =	shalt  }
0x81: {  	_ =	shalt  }
0x82: {  	_ =	shalt  }
0x83: {  	_ =	shalt  }
0x84: {  	_ =	shalt  }
0x85: {  	_ =	shalt  }
0x86: {  	_ =	shalt  }
0x87: {  	_ =	shalt  }
.Lfunc_end0:
.L_simem_size_0:
called_computation_lowered:
.L_overlay_start_0:
0x88: {  	s2 =	sld [smem:$0x3FD9]  }
0x89: {  	s3 =	sld [smem:$0x3FFE];
	_ =	sdelay $0x1  }
0x8a: {  	s1 =	srdreg.scid  }
0x8b: {  	s0 =	sand.u32 $0x1, s1  }
0x8c: {  	s17 =	sshll.u32 s0, $0xA;
	s2 =	sadd.s32 s3, s2  }
0x8d: {  	s2 =	sadd.s32 s2, s17  }
0x8e: {  	[smem:$0x3FBE] =	sst s2  }
0x8f: {  	_ = 	snop  }
0x90: {  	s2 =	sld [smem:$0x3FC9]  }
0x91: {  	s18 =	sld [smem:$0x3FD0];
	(tm) =	ssettm $0x1  }
0x92: {  	s4 =	sld [smem:$0x3FFB];
	_ =	sdelay $0x3  }
0x93: {  	_ =	strace s4  }
0x94: {  	s4 =	sld [smem:$0x3FFC];
	_ =	sdelay $0x3  }
0x95: {  	_ =	strace s4  }
0x96: {  	s4 =	sld [smem:$0x3FFD];
	_ =	sdelay $0x3  }
0x97: {  	_ =	strace s4  }
0x98: {  	_ =	strace $0x8FFFFFFF  }
0x99: {  	s19 =	sld [smem:$0x3FDB];
	_ =	sdelay $0x1  }
0x9a: {  	s5 =	simm.s32 $_scs_section_size  }
0x9b: {  	s6 =	simm.s32 $_size__tile_overlayer_lowered;
	s7 =	simm.s32 $_tile_overlayer_lowered  }
0x9c: {  	s22 =	simm.s32 $0x1BFF;
	s21 =	sshll.u32 s7, $0x1;
	s4 =	sadd.s32 s5, s19  }
0x9d: {  	s8 =	simm.s32 $0x0;
	s20 =	sshll.u32 s6, $0x1;
	s6 =	sadd.s32 s21, s4  }
0x9e: {  	[timem:s8], [sflag:s22] =	dma.local [hbm:s6], s20  }
0x9f: {  	_ =	swait.ge [sflag:s22], s20  }
0xa0: {  	s5 =	ssub.s32 $0x0, s20;
	[sflag:s22] =	ssyncset.done $0x0  }
0xa1: {  	[sflag:s22] =	ssyncadd.s32 s5;
	_ =	sdelay $0x1  }
0xa2: {  	s23 =	simm.s32 $0x1B8B  }
0xa3: {  	_ =	swait.ge [sflag:s23], $0x1  }
0xa4: {  	[sflag:s23] =	ssyncset.done $0x0  }
0xa5: {  	s25 =	simm.s32 $0x1B8E;
	s24 =	sld [smem:$0x3FFE];
	[sflag:s23] =	ssyncadd.s32 $0xFFFFFFFF  }
0xa6: {  	s26 =	simm.s32 $execute0_lowered;
	[smem:$0x3FD2] =	sst s25  }
0xa7: {  	s6 =	sshll.u32 s26, $0x1;
	_ =	strace $0x80000046;
	[dreg:$0x1] =	wrdreg $0xFFFFFFFF  }
0xa8: {  	s28 =	simm.s32 $_size_execute0_lowered;
	s4 =	sadd.s32 s4, s6;
	[dreg:$0x0] =	wrdreg $0x0  }
0xa9: {  	s6 =	sshll.u32 s28, $0x1;
	[dreg:$0x2] =	wrdreg s4  }
0xaa: {  	[dreg:$0x3] =	wrdreg s6  }
0xab: {  	[dreg:$0x4] =	wrdreg $0xC0  }
0xac: {  	_ =	task [dreg:s8], $0x5FFFF  }
0xad: {  	[dreg:$0x1] =	wrdreg $0xFFFFFFFF  }
0xae: {  	[dreg:$0x0] =	wrdreg $0x60  }
0xaf: {  	[dreg:$0x2] =	wrdreg s24  }
0xb0: {  	[dreg:$0x3] =	wrdreg s2  }
0xb1: {  	[dreg:$0x4] =	wrdreg s18  }
0xb2: {  	[dreg:$0x5] =	wrdreg $0x51000  }
0xb3: {  	[dreg:$0x6] =	wrdreg $0xF1000  }
0xb4: {  	[dreg:$0x7] =	wrdreg $0x9  }
0xb5: {  	_ =	task.clear_ibuf [dreg:s8], $0x8FFFF;
	_ =	strace $0x90000046  }
0xb6: {  	s29 =	simm.s32 $0x9;
	_ =	strace $0x80000048  }
0xb7: {  	_ =	swait.ge [sflag:s29], $0x1  }
0xb8: {  	[sflag:s29] =	ssyncadd.s32 $0xFFFFFFFF  }
0xb9: {  	_ =	strace $0x90000048  }
0xba: {  	_ =	sfence  }
0xbb: {  	s30 =	sld [smem:$0x0];
	_ =	sdelay $0x2  }
0xbc: {  	s31 =	sshll.u32 s1, $0xD;
	s1 =	sshrl.u32 s1, $0x2  }
0xbd: {  	s3 =	sand.u32 $0x4000, s31;
	s1 =	sadd.s32 s1, s30  }
0xbe: {  	s0 =	sor.u32 s3, s0;
	s1 =	sshll.u32 s1, $0x11  }
0xbf: {  	s0 =	sor.u32 s1, s0  }
0xc0: {  	s0 =	sadd.s32 $0x8F2B, s0  }
0xc1: {  	[sflag:s0] =	ssyncadd.remote.s32 $0x1  }
0xc2: {  	_ =	sfence.sel $0xFFFF  }
0xc3: {  	[dreg:$0x0] =	wrdreg $0xFFFFFFFF;
	(pc) =	sbr.abs _section_cstart, $3  }
0xc4: {  	[dreg:$0x1] =	wrdreg $0xFFFFFFFF  }
0xc5: {  	_ =	task.clear_ibuf [dreg:s8], $0x2FFFF;
	_ =	strace $0x9FFFFFFF  }
0xc6: {  	(tm) =	ssettm $0x7FFFFFFF  }
0xc7: {  	_ =	shalt  }
tec
execute0_lowered:
.L_overlay_start_1:
0x0: {  	(tag) =	ssettag $0x1  }
0x1: {  	s0 =	rddreg [dreg:$0x0]  }
0x2: {  	s1 =	rddreg [dreg:$0x1];
	s15 =	stileid.u32  }
0x3: {  	s2 =	rddreg [dreg:$0x2];
	s6 =	smul.u32 $0x4F00, s15  }
0x4: {  	s4 =	srdreg.scid;
	s9 =	smul.u32 $0x9E0, s15  }
0x5: {  	s3 =	rddreg [dreg:$0x3];
	s10 =	smul.u32 $0xA000, s15  }
0x6: {  	s5 =	simm.s32 $0x0;
	s28 =	simm.s32 $0x4900;
	s14 =	smul.u32 $0x2800, s15  }
0x7: {  	s29 =	simm.s32 $0x3;
	s30 =	simm.s32 $0x80;
	s18 =	smul.u32 $0x280, s15  }
0x8: {  	s7 =	sand.u32 $0x1, s4;
	s4 =	rddreg [dreg:$0x4];
	s25 =	smul.u32 $0x28000, s15  }
0x9: {  	s31 =	simm.s32 $0x100;
	[smem:$0x7FF] =	sst s5;
	s8 =	smul.u32 $0x4F000, s7  }
0xa: {  	s21 =	smul.u32 $0xA0000, s7;
	_ =	strace $0x80000047;
	s12 =	ssub.s32 $0x2, s7  }
0xb: {  	s13 =	smul.u32 $0x28000, s7;
	s9 =	sadd.s32 s9, s0;
	s23 =	sshrl.u32 s12, $0x1  }
0xc: {  	s17 =	sadd.s32 $0x100, s18;
	s20 =	sadd.s32 $0x180, s18;
	s6 =	sadd.s32 s6, s8  }
0xd: {  	s8 =	sadd.s32 s10, s21;
	s24 =	sadd.s32 s14, s13;
	s21 =	sadd.s32 s10, s3  }
0xe: {  	s13 =	sadd.s32 $0x80, s18;
	s19 =	sshll.u32 s17, $0x6;
	s6 =	sshrl.u32 s6, $0x3  }
0xf: {  	s22 =	sshrl.u32 s8, $0x3;
	s8 =	ssub.s32 s12, s23;
	s12 =	sshrl.u32 s10, $0x2  }
0x10: {  	s15 =	sshll.u32 s13, $0x6;
	s16 =	sshll.u32 s13, $0x4;
	s23 =	sshll.u32 s20, $0x6  }
0x11: {  	s10 =	sadd.s32 $0x17400, s9;
	s11 =	sadd.s32 s6, s0;
	s6 =	smul.u32 $0x4F, s7  }
0x12: {  	s0 =	sadd.s32 s22, s0;
	s26 =	smax.u32 s8, $0x1;
	s8 =	sshrl.u32 s25, $0x2  }
0x13: {  	s22 =	sshll.u32 s17, $0x4;
	s17 =	sadd.s32 s23, s3;
	s25 =	sshll.u32 s20, $0x4  }
0x14: {  	s23 =	simm.s32 $0x2100;
	s0 =	sadd.s32 $0x21200, s0;
	[dreg:$0x8] =	wrdreg s26  }
0x15: {  	s7 =	sadd.s32 $0x4F, s6;
	[dreg:$0x6] =	wrdreg s0;
	s0 =	sshrl.u32 s24, $0x3  }
0x16: {  	s24 =	sadd.s32 $0x200, s18;
	s18 =	sadd.s32 s25, s4;
	s0 =	sadd.s32 s2, s0  }
0x17: {  	s2 =	sadd.s32 s8, s3;
	s26 =	sshll.u32 s24, $0x6;
	[dreg:$0x7] =	wrdreg s0  }
0x18: {  	s0 =	sadd.s32 s14, s4;
	[dreg:$0x9] =	wrdreg s2;
	s14 =	sadd.s32 s12, s4  }
0x19: {  	s2 =	sadd.s32 s15, s3;
	s15 =	sadd.s32 s19, s3;
	[dreg:$0xa] =	wrdreg s14  }
0x1a: {  	s19 =	sadd.s32 s26, s3;
	s26 =	simm.s32 $0x2;
	[dreg:$0xb] =	wrdreg s2  }
0x1b: {  	s14 =	sadd.s32 s16, s4;
	s16 =	sadd.s32 s22, s4;
	s2 =	sshll.u32 s24, $0x4  }
0x1c: {  	s22 =	sadd.s32 $0x3800, s11;
	s24 =	sshrl.u32 s21, $0x3;
	s25 =	sshrl.u32 s0, $0x3  }
0x1d: {  	v0 =	vimm.f32 $0.0e+00;
	v1 =	vimm.f32 $1.000000000e+00;
	s0 =	simm.s32 $0x0;
	s20 =	sadd.s32 s2, s4;
	s2 =	simm.s32 $0x1  }
.LBB2_1:
0x1e: {  	s8 =	simm.s32 $0x0  }
.LBB2_2:
0x1f: {  	p0 =	sne.s32 s8, $0x7F00  }
.Ltmp0:
0x20: {  	s9 =	sshra.s32 s8, $0x2;
	(pc) =	sbr.rel @p0 .LBB2_2-.Ltmp0, $4  }
0x21: {  	[tilespmem:s9+$0x2100] =	vst v0  }
0x22: {  	[tilespmem:s9+$0x2110] =	vst v0  }
0x23: {  	[tilespmem:s9+$0x2120] =	vst v0  }
0x24: {  	s8 =	sadd.s32 $0x100, s8;
	[tilespmem:s9+$0x2130] =	vst v0  }
0x25: {  	s8 =	simm.s32 $0x40;
	s9 =	simm.s32 $0x0  }
.LBB2_4:
0x26: {  	p0 =	sne.s32 s8, $0x1FC0;
	[tilespmem:s9+$0x4100] =	vst v1;
	s11 =	smov.u32 s8;
	s8 =	sadd.s32 $0x40, s8  }
.Ltmp1:
0x27: {  	[tilespmem:s9+$0x4900] =	vst v0;
	(pc) =	sbr.rel @p0 .LBB2_4-.Ltmp1, $2  }
0x28: {  	_ =	sdelay $0x2  }
0x29: {  	s9 =	sshra.s32 s11, $0x2  }
0x2a: {  	[tilespmem:s9+$0x4100] =	vst v1  }
0x2b: {  	[tilespmem:s9+$0x4900] =	vst v0;
	s8 =	rddreg [dreg:$0x9]  }
0x2c: {  	[spmem:s8] =	stream.linear.scatter [tilespmem:s23], [sflag:$0x2], $0x2000, $0x38;
	[tilespmem:$0x11900] =	vst v63  }
0x2d: {  	_ =	swait.ge [sflag:s26], $0x2000  }
0x2e: {  	[sflag:s26] =	ssyncset.done $0x0  }
0x2f: {  	s13 =	rddreg [dreg:$0xa];
	[sflag:s26] =	ssyncadd.s32 $0xFFFFE000  }
0x30: {  	[spmem:s13] =	stream.linear.scatter [tilespmem:s28], [sflag:$0x2], $0x800, $0x38;
	[tilespmem:$0x11900] =	vst v63  }
0x31: {  	_ =	swait.ge [sflag:s26], $0x800  }
0x32: {  	[sflag:s26] =	ssyncset.done $0x0  }
0x33: {  	s21 =	rddreg [dreg:$0xb];
	[sflag:s26] =	ssyncadd.s32 $0xFFFFF800  }
0x34: {  	[spmem:s21] =	stream.linear.scatter [tilespmem:s23], [sflag:$0x2], $0x2000, $0x38;
	[tilespmem:$0x11900] =	vst v63  }
0x35: {  	_ =	swait.ge [sflag:s26], $0x2000  }
0x36: {  	[sflag:s26] =	ssyncset.done $0x0  }
0x37: {  	[sflag:s26] =	ssyncadd.s32 $0xFFFFE000  }
0x38: {  	[spmem:s14] =	stream.linear.scatter [tilespmem:s28], [sflag:$0x2], $0x800, $0x38;
	[tilespmem:$0x11900] =	vst v63  }
0x39: {  	_ =	swait.ge [sflag:s26], $0x800  }
0x3a: {  	[sflag:s26] =	ssyncset.done $0x0  }
0x3b: {  	[sflag:s26] =	ssyncadd.s32 $0xFFFFF800  }
0x3c: {  	[spmem:s15] =	stream.linear.scatter [tilespmem:s23], [sflag:$0x2], $0x2000, $0x38;
	[tilespmem:$0x11900] =	vst v63  }
0x3d: {  	_ =	swait.ge [sflag:s26], $0x2000  }
0x3e: {  	[sflag:s26] =	ssyncset.done $0x0  }
0x3f: {  	[sflag:s26] =	ssyncadd.s32 $0xFFFFE000  }
0x40: {  	[spmem:s16] =	stream.linear.scatter [tilespmem:s28], [sflag:$0x2], $0x800, $0x38;
	[tilespmem:$0x11900] =	vst v63  }
0x41: {  	_ =	swait.ge [sflag:s26], $0x800  }
0x42: {  	[sflag:s26] =	ssyncset.done $0x0  }
0x43: {  	[sflag:s26] =	ssyncadd.s32 $0xFFFFF800  }
0x44: {  	[spmem:s17] =	stream.linear.scatter [tilespmem:s23], [sflag:$0x2], $0x2000, $0x38;
	[tilespmem:$0x11900] =	vst v63  }
0x45: {  	_ =	swait.ge [sflag:s26], $0x2000  }
0x46: {  	[sflag:s26] =	ssyncset.done $0x0  }
0x47: {  	[sflag:s26] =	ssyncadd.s32 $0xFFFFE000  }
0x48: {  	[spmem:s18] =	stream.linear.scatter [tilespmem:s28], [sflag:$0x2], $0x800, $0x38;
	[tilespmem:$0x11900] =	vst v63  }
0x49: {  	_ =	swait.ge [sflag:s26], $0x800  }
0x4a: {  	[sflag:s26] =	ssyncset.done $0x0  }
0x4b: {  	[sflag:s26] =	ssyncadd.s32 $0xFFFFF800  }
0x4c: {  	[spmem:s19] =	stream.linear.scatter [tilespmem:s23], [sflag:$0x2], $0x2000, $0x38;
	[tilespmem:$0x11900] =	vst v63  }
0x4d: {  	_ =	swait.ge [sflag:s26], $0x2000  }
0x4e: {  	[sflag:s26] =	ssyncset.done $0x0  }
0x4f: {  	[sflag:s26] =	ssyncadd.s32 $0xFFFFE000  }
0x50: {  	[spmem:s20] =	stream.linear.scatter [tilespmem:s28], [sflag:$0x2], $0x800, $0x38;
	[tilespmem:$0x11900] =	vst v63  }
0x51: {  	_ =	swait.ge [sflag:s26], $0x800  }
0x52: {  	[sflag:s26] =	ssyncset.done $0x0  }
0x53: {  	[sflag:s26] =	ssyncadd.s32 $0xFFFFF800  }
0x54: {  	[bflag:$0x0] =	sbarrier.arrive $0xFFFF  }
0x55: {  	[tilespmem:s5], [sflag:$0x3] =	stream.linear.gather [hbm4b:s22+s5], $0x80, $0x38;
	[tilespmem:$0x11900] =	vst v63  }
0x56: {  	_ =	swait.ge [sflag:s29], $0x80  }
0x57: {  	[sflag:s29] =	ssyncset.done $0x0  }
0x58: {  	[sflag:s29] =	ssyncadd.s32 $0xFFFFFF80  }
0x59: {  	[tilespmem:s30], [sflag:$0x3] =	stream.linear.gather [hbm4b:s10+s5], $0x80, $0x38;
	[tilespmem:$0x11900] =	vst v63  }
0x5a: {  	_ =	swait.ge [sflag:s29], $0x80  }
0x5b: {  	[sflag:s29] =	ssyncset.done $0x0  }
0x5c: {  	[sflag:s29] =	ssyncadd.s32 $0xFFFFFF80  }
0x5d: {  	[tilespmem:s31], [sflag:$0x1] =	stream.indirect.gather [hbm4b:s1+s30], $0x40, s5, s30, $0xb8;
	[tilespmem:$0x11900] =	vst v63  }
0x5e: {  	_ =	swait.ge [sflag:s2], $0x2000  }
0x5f: {  	p0 =	sgt.u32 s6, $0x0;
	[sflag:s2] =	ssyncset.done $0x0  }
0x60: {  	p1 =	sle.u32 @!p0 s7, $0x0;
	[sflag:s2] =	ssyncadd.s32 $0xFFFFE000  }
0x61: {  	[spmem:s3] =	stream.indirect.scatter.add.f32 [tilespmem:s31], [sflag:$0x3], $0x40, s30, s30, $0xb8;
	[tilespmem:$0x11900] =	vst v63  }
0x62: {  	p1 =	por p1, p0;
	_ =	swait.ge [sflag:s29], $0x2000  }
0x63: {  	s8 =	simm.s32 @!p1 $0x80;
	s9 =	simm.s32 @!p1 $0x4100;
	[sflag:s29] =	ssyncset.done $0x0  }
0x64: {  	s11 =	simm.s32 @!p1 $0x2;
	s21 =	smov.u32 s10;
	[sflag:s29] =	ssyncadd.s32 $0xFFFFE000  }
0x65: {  	[spmem:s4] =	stream.indirect.scatter.add.f32 @!p1 [tilespmem:s9], [sflag:$0x2], $0x10, s8, s8, $0xb8;
	[tilespmem:$0x11900] =	vst v63  }
0x66: {  	s8 =	simm.s32 $0x1;
	s9 =	sadd.s32 $0x10, s22;
	_ =	swait.ge @!p1 [sflag:s11], $0x800  }
.LBB2_6:
0x67: {  	[sflag:s11] =	ssyncset.done @!p1 $0x0  }
0x68: {  	s21 =	sadd.s32 $0x10, s21;
	s12 =	smov.u32 s8;
	s8 =	sadd.s32 $0x1, s8  }
0x69: {  	p0 =	sne.s32 s8, $0x9E;
	[sflag:s11] =	ssyncadd.s32 @!p1 $0xFFFFF800  }
0x6a: {  	[tilespmem:s5], [sflag:$0x3] =	stream.linear.gather [hbm4b:s9+s5], $0x80, $0x38;
	[tilespmem:$0x11900] =	vst v63  }
0x6b: {  	_ =	swait.ge [sflag:s29], $0x80  }
0x6c: {  	[sflag:s29] =	ssyncset.done $0x0  }
0x6d: {  	[sflag:s29] =	ssyncadd.s32 $0xFFFFFF80  }
0x6e: {  	[tilespmem:s30], [sflag:$0x3] =	stream.linear.gather [hbm4b:s21+s5], $0x80, $0x38;
	[tilespmem:$0x11900] =	vst v63  }
0x6f: {  	_ =	swait.ge [sflag:s29], $0x80  }
0x70: {  	[sflag:s29] =	ssyncset.done $0x0  }
0x71: {  	[sflag:s29] =	ssyncadd.s32 $0xFFFFFF80  }
0x72: {  	[tilespmem:s31], [sflag:$0x1] =	stream.indirect.gather [hbm4b:s1+s30], $0x40, s5, s30, $0xb8;
	[tilespmem:$0x11900] =	vst v63  }
0x73: {  	_ =	swait.ge [sflag:s2], $0x2000  }
0x74: {  	p1 =	slt.u32 s12, s6;
	[sflag:s2] =	ssyncset.done $0x0  }
0x75: {  	p2 =	sge.u32 @!p1 s12, s7;
	[sflag:s2] =	ssyncadd.s32 $0xFFFFE000  }
0x76: {  	[spmem:s3] =	stream.indirect.scatter.add.f32 [tilespmem:s31], [sflag:$0x3], $0x40, s30, s30, $0xb8;
	[tilespmem:$0x11900] =	vst v63  }
.Ltmp2:
0x77: {  	p1 =	por p2, p1;
	_ =	swait.ge [sflag:s29], $0x2000;
	(pc) =	sbr.rel @p0 .LBB2_6-.Ltmp2, $4  }
0x78: {  	s12 =	simm.s32 @!p1 $0x80;
	s13 =	simm.s32 @!p1 $0x4100;
	[sflag:s29] =	ssyncset.done $0x0  }
0x79: {  	s11 =	simm.s32 @!p1 $0x2;
	[sflag:s29] =	ssyncadd.s32 $0xFFFFE000  }
0x7a: {  	[spmem:s4] =	stream.indirect.scatter.add.f32 @!p1 [tilespmem:s13], [sflag:$0x2], $0x10, s12, s12, $0xb8;
	[tilespmem:$0x11900] =	vst v63  }
0x7b: {  	s9 =	sadd.s32 $0x10, s9;
	_ =	swait.ge @!p1 [sflag:s11], $0x800  }
0x7c: {  	[sflag:s11] =	ssyncset.done @!p1 $0x0  }
0x7d: {  	s8 =	stileid.u32;
	[sflag:s11] =	ssyncadd.s32 @!p1 $0xFFFFF800  }
0x7e: {  	s8 =	sshll.u32 s8, $0x6;
	[bflag:$0x0] =	sbarrier.arrive $0xFFFF  }
0x7f: {  	s8 =	sor.u32 $0x1C02, s8;
	s9 =	rddreg [dreg:$0x6]  }
0x80: {  	[hbm:s9], [sflag:s8] =	dma.local [spmem:s24], $0x1400  }
0x81: {  	_ =	swait.ge [sflag:s26], $0x1400  }
0x82: {  	[sflag:s26] =	ssyncset.done $0x0  }
0x83: {  	s13 =	rddreg [dreg:$0x7];
	[sflag:s26] =	ssyncadd.s32 $0xFFFFEC00  }
0x84: {  	[hbm:s13], [sflag:s8] =	dma.local [spmem:s25], $0x500  }
0x85: {  	_ =	swait.ge [sflag:s26], $0x500  }
0x86: {  	s0 =	sadd.s32 $0x1, s0;
	s21 =	rddreg [dreg:$0x8]  }
0x87: {  	p0 =	sne.s32 s0, s21  }
.Ltmp3:
0x88: {  	_ = 	snop;
	(pc) =	sbr.rel @p0 .LBB2_1-.Ltmp3, $3  }
0x89: {  	_ =	sdelay $0x1  }
0x8a: {  	[sflag:s26] =	ssyncset.done $0x0  }
0x8b: {  	[sflag:s26] =	ssyncadd.s32 $0xFFFFFB00  }
0x8c: {  	_ =	sfence.sel $0x180000  }
0x8d: {  	[bflag:$0x0] =	sbarrier.arrive $0xFFFF  }
0x8e: {  	_ =	strace $0x90000047  }
0x8f: {  	s0 =	stileid.u32;
	[bflag:$0x2] =	sbarrier.arrive $0xFFFF  }
0x90: {  	p0 =	sne.s32 s0, $0x0;
	s0 =	rddreg [dreg:$0x5]  }
0x91: {  	s0 =	sadd.s32 @!p0 $0x100000, s0  }
0x92: {  	[sflag:s0] =	ssyncadd.tile.s32 @!p0 $0x1;
	_ =	shalt  }
.Lfunc_end2:
_tile_overlayer_lowered:
.L_overlay_start_2:
0x93: {  	(tag) =	ssettag $0x2  }
0x94: {  	s0 =	rddreg [dreg:$0x0];
	s2 =	stileid.u32  }
0x95: {  	s1 =	rddreg [dreg:$0x1];
	p0 =	sne.s32 s2, $0x0  }
0x96: {  	s3 =	rddreg [dreg:$0x2];
	[bflag:$0x3] =	sbarrier.arrive $0xFFFF;
	s2 =	simm.s32 @!p0 $0x1C02  }
0x97: {  	[timem:s3], [sflag:s2] =	dma.local @!p0 [hbm:s0], s1  }
0x98: {  	s0 =	simm.s32 @!p0 $0x2  }
0x99: {  	_ =	swait.ge @!p0 [sflag:s0], s1  }
0x9a: {  	s1 =	ssub.s32 @!p0 $0x0, s1;
	[sflag:s0] =	ssyncset.done @!p0 $0x0  }
0x9b: {  	[sflag:s0] =	ssyncadd.s32 @!p0 s1  }
0x9c: {  	[bflag:$0x3] =	sbarrier.arrive $0xFFFF  }
0x9d: {  	_ =	shalt  }

// kernel: kernel.9.cloned.1.call-start
scs
__scs_entry_jumppad:
0x0: {  	(pc) =	sbr.rel $0x88, $3  }
0x1: {  	(tag) =	ssettag $0x0;
	lr =	simm.s32 $0x1  }
0x2: {  	[smem:$0x3F97] =	sst lr;
	_ =	strace $0xD0000000  }
0x3: {  	_ = 	snop  }
0x4: {  	_ = 	snop  }
0x5: {  	_ = 	snop  }
0x6: {  	_ = 	snop  }
0x7: {  	_ = 	snop  }
__scs_overlays_trampoline_lowered:
0x8: {  	[smem:$0x3FA6] =	sst s0  }
0x9: {  	[smem:$0x3FA7] =	sst s1  }
0xa: {  	[smem:$0x3FA8] =	sst s2  }
0xb: {  	[smem:$0x3FA9] =	sst s3  }
0xc: {  	[smem:$0x3FAA] =	sst s4  }
0xd: {  	[smem:$0x3FAB] =	sst s5  }
0xe: {  	[smem:$0x3FAC] =	sst s6  }
0xf: {  	[smem:$0x3FAD] =	sst s7  }
0x10: {  	[smem:$0x3FAE] =	sst s8  }
0x11: {  	[smem:$0x3FAF] =	sst s9;
	s0 =	simm.s32 @!p0 $0x0  }
0x12: {  	s1 =	sld [smem:$0x3F95];
	s0 =	simm.s32 @p0 $0x1  }
0x13: {  	[smem:$0x3FB0] =	sst s0;
	s0 =	simm.s32 @!p1 $0x0  }
0x14: {  	s2 =	sld [smem:$0x3F94];
	s0 =	simm.s32 @p1 $0x1  }
0x15: {  	[smem:$0x3FB1] =	sst s0;
	s0 =	simm.s32 @!p2 $0x0  }
0x16: {  	s3 =	sld [smem:$0x3FDB];
	s0 =	simm.s32 @p2 $0x1  }
0x17: {  	s4 =	simm.s32 $0x1BF5;
	[smem:$0x3FB3] =	sst s0  }
0x18: {  	s0 =	sld [smem:$0x3F96];
	_ =	swait.ge [sflag:s4], $0x0  }
0x19: {  	s7 =	sld [smem:$0x3F97]  }
0x1a: {  	s8 =	sadd.s32 $0xFFFFE003, lr  }
0x1b: {  	s9 =	sadd.s32 $0xFFFFFEF7, lr;
	s5 =	simm.s32 $0xFFFFFFFF;
	p2 =	slt.u32 s8, $0xFFFFF086  }
0x1c: {  	p1 =	slt.u32 s9, $0xF7A;
	s5 =	simm.s32 @!p2 $0x0  }
0x1d: {  	s5 =	simm.s32 @p1 $0x1;
	p0 =	seq.s32 s7, s2  }
0x1e: {  	s7 =	smul.u32 @!p0 $0xF7A, s2;
	p2 =	seq.s32 @!p0 s5, $0x0  }
0x1f: {  	s9 =	smul.u32 $0xF7A, s1;
	s8 =	simm.s32 @!p0 $0x1BF5;
	p2 =	por !p2, p0  }
0x20: {  	[sflag:s8] =	ssyncset.s32 @!p0 $0xFFFFF086;
	s6 =	sadd.s32 @!p0 s3, s7;
	s7 =	simm.s32 @!p0 $0x108  }
0x21: {  	s3 =	sadd.s32 s3, s9;
	s6 =	sadd.s32 @!p0 $0x88, s6;
	s7 =	simm.s32 @p2 $0x1082  }
0x22: {  	[simem:s7], [sflag:s8] =	dma.local @!p0 [hbm:s6], $0xF7A  }
0x23: {  	s9 =	sor.u32 $0xD0000000, s2;
	s6 =	simm.s32 $0x108;
	_ =	swait.ge @!p0 [sflag:s8], $0x0  }
0x24: {  	s3 =	sadd.s32 $0x88, s3;
	s6 =	simm.s32 @!p1 $0x1082;
	[sflag:s4] =	ssyncset.s32 $0xFFFFF086  }
0x25: {  	[simem:s6], [sflag:s4] =	dma.local [hbm:s3], $0xF7A  }
0x26: {  	[smem:$0x3F97] =	sst s1;
	(tag) =	ssettag s2;
	_ =	strace s9  }
0x27: {  	s1 =	sld [smem:$0x3FA7]  }
0x28: {  	s2 =	sld [smem:$0x3FA8]  }
0x29: {  	s4 =	sld [smem:$0x3FAA]  }
0x2a: {  	p0 =	seq.s32 s5, $0x0;
	s5 =	sld [smem:$0x3FAB]  }
0x2b: {  	s6 =	sld [smem:$0x3FAC]  }
0x2c: {  	s7 =	sld [smem:$0x3FAD]  }
0x2d: {  	s3 =	simm.s32 $0x108;
	s8 =	sld [smem:$0x3FAE]  }
0x2e: {  	s3 =	simm.s32 @!p0 $0x1082;
	s9 =	sld [smem:$0x3FAF]  }
0x2f: {  	lr =	sadd.s32 s0, s3;
	s0 =	sld [smem:$0x3FA6]  }
0x30: {  	s3 =	sld [smem:$0x3FA9]  }
0x31: {  	[smem:$0x3FB2] =	sst s10  }
0x32: {  	s10 =	sld [smem:$0x3FB0];
	_ =	sdelay $0x3  }
0x33: {  	p0 =	seq.s32 s10, $0x1;
	s10 =	sld [smem:$0x3FB2];
	_ =	sdelay $0x3  }
0x34: {  	[smem:$0x3FB2] =	sst s10  }
0x35: {  	s10 =	sld [smem:$0x3FB1];
	_ =	sdelay $0x3  }
0x36: {  	p1 =	seq.s32 s10, $0x1;
	s10 =	sld [smem:$0x3FB2];
	_ =	sdelay $0x3  }
0x37: {  	[smem:$0x3FB2] =	sst s10  }
0x38: {  	s10 =	sld [smem:$0x3FB3]  }
0x39: {  	_ = 	snop;
	(pc) =	sbr.ind lr, $3  }
0x3a: {  	_ = 	snop  }
0x3b: {  	_ = 	snop  }
0x3c: {  	p2 =	seq.s32 s10, $0x1;
	s10 =	sld [smem:$0x3FB2]  }
0x3d: {  	_ =	shalt  }
0x3e: {  	_ =	shalt  }
0x3f: {  	_ =	shalt  }
0x40: {  	_ =	shalt  }
0x41: {  	_ =	shalt  }
0x42: {  	_ =	shalt  }
0x43: {  	_ =	shalt  }
0x44: {  	_ =	shalt  }
0x45: {  	_ =	shalt  }
0x46: {  	_ =	shalt  }
0x47: {  	_ =	shalt  }
0x48: {  	_ =	shalt  }
0x49: {  	_ =	shalt  }
0x4a: {  	_ =	shalt  }
0x4b: {  	_ =	shalt  }
0x4c: {  	_ =	shalt  }
0x4d: {  	_ =	shalt  }
0x4e: {  	_ =	shalt  }
0x4f: {  	_ =	shalt  }
0x50: {  	_ =	shalt  }
0x51: {  	_ =	shalt  }
0x52: {  	_ =	shalt  }
0x53: {  	_ =	shalt  }
0x54: {  	_ =	shalt  }
0x55: {  	_ =	shalt  }
0x56: {  	_ =	shalt  }
0x57: {  	_ =	shalt  }
0x58: {  	_ =	shalt  }
0x59: {  	_ =	shalt  }
0x5a: {  	_ =	shalt  }
0x5b: {  	_ =	shalt  }
0x5c: {  	_ =	shalt  }
0x5d: {  	_ =	shalt  }
0x5e: {  	_ =	shalt  }
0x5f: {  	_ =	shalt  }
0x60: {  	_ =	shalt  }
0x61: {  	_ =	shalt  }
0x62: {  	_ =	shalt  }
0x63: {  	_ =	shalt  }
0x64: {  	_ =	shalt  }
0x65: {  	_ =	shalt  }
0x66: {  	_ =	shalt  }
0x67: {  	_ =	shalt  }
0x68: {  	_ =	shalt  }
0x69: {  	_ =	shalt  }
0x6a: {  	_ =	shalt  }
0x6b: {  	_ =	shalt  }
0x6c: {  	_ =	shalt  }
0x6d: {  	_ =	shalt  }
0x6e: {  	_ =	shalt  }
0x6f: {  	_ =	shalt  }
0x70: {  	_ =	shalt  }
0x71: {  	_ =	shalt  }
0x72: {  	_ =	shalt  }
0x73: {  	_ =	shalt  }
0x74: {  	_ =	shalt  }
0x75: {  	_ =	shalt  }
0x76: {  	_ =	shalt  }
0x77: {  	_ =	shalt  }
0x78: {  	_ =	shalt  }
0x79: {  	_ =	shalt  }
0x7a: {  	_ =	shalt  }
0x7b: {  	_ =	shalt  }
0x7c: {  	_ =	shalt  }
0x7d: {  	_ =	shalt  }
0x7e: {  	_ =	shalt  }
0x7f: {  	_ =	shalt  }
0x80: {  	_ =	shalt  }
0x81: {  	_ =	shalt  }
0x82: {  	_ =	shalt  }
0x83: {  	_ =	shalt  }
0x84: {  	_ =	shalt  }
0x85: {  	_ =	shalt  }
0x86: {  	_ =	shalt  }
0x87: {  	_ =	shalt  }
.Lfunc_end0:
.L_simem_size_0:
called_computation.1_lowered:
.L_overlay_start_0:
0x88: {  	s2 =	sld [smem:$0x3FD9]  }
0x89: {  	s3 =	sld [smem:$0x3FFE];
	_ =	sdelay $0x1  }
0x8a: {  	s1 =	srdreg.scid  }
0x8b: {  	s0 =	sand.u32 $0x1, s1  }
0x8c: {  	s16 =	sshll.u32 s0, $0xA;
	s2 =	sadd.s32 s3, s2  }
0x8d: {  	s2 =	sadd.s32 s2, s16  }
0x8e: {  	[smem:$0x3FBE] =	sst s2  }
0x8f: {  	_ = 	snop  }
0x90: {  	(tm) =	ssettm $0x1  }
0x91: {  	s17 =	sld [smem:$0x3FFB];
	_ =	sdelay $0x3  }
0x92: {  	_ =	strace s17  }
0x93: {  	s2 =	sld [smem:$0x3FFC];
	_ =	sdelay $0x3  }
0x94: {  	_ =	strace s2  }
0x95: {  	s2 =	sld [smem:$0x3FFD];
	_ =	sdelay $0x3  }
0x96: {  	_ =	strace s2  }
0x97: {  	_ =	strace $0x8FFFFFFF  }
0x98: {  	s18 =	sld [smem:$0x3FDB];
	_ =	sdelay $0x1  }
0x99: {  	s19 =	simm.s32 $_scs_section_size  }
0x9a: {  	s4 =	simm.s32 $_size__tile_overlayer_lowered;
	s5 =	simm.s32 $_tile_overlayer_lowered  }
0x9b: {  	s22 =	simm.s32 $0x1BFF;
	s21 =	sshll.u32 s5, $0x1;
	s2 =	sadd.s32 s19, s18  }
0x9c: {  	s6 =	simm.s32 $0x0;
	s20 =	sshll.u32 s4, $0x1;
	s4 =	sadd.s32 s21, s2  }
0x9d: {  	[timem:s6], [sflag:s22] =	dma.local [hbm:s4], s20  }
0x9e: {  	_ =	swait.ge [sflag:s22], s20  }
0x9f: {  	s3 =	ssub.s32 $0x0, s20;
	[sflag:s22] =	ssyncset.done $0x0  }
0xa0: {  	[sflag:s22] =	ssyncadd.s32 s3;
	_ =	sdelay $0x1  }
0xa1: {  	s23 =	simm.s32 $0x1B8B  }
0xa2: {  	_ =	swait.ge [sflag:s23], $0x1  }
0xa3: {  	[sflag:s23] =	ssyncset.done $0x0  }
0xa4: {  	s25 =	simm.s32 $0x1B8E;
	s24 =	sld [smem:$0x3FFE];
	[sflag:s23] =	ssyncadd.s32 $0xFFFFFFFF  }
0xa5: {  	s26 =	simm.s32 $execute0_lowered;
	[smem:$0x3FD2] =	sst s25  }
0xa6: {  	s4 =	sshll.u32 s26, $0x1;
	_ =	strace $0x80000049;
	[dreg:$0x1] =	wrdreg $0xFFFFFFFF  }
0xa7: {  	s28 =	simm.s32 $_size_execute0_lowered;
	s2 =	sadd.s32 s2, s4;
	[dreg:$0x0] =	wrdreg $0x0  }
0xa8: {  	s4 =	sshll.u32 s28, $0x1;
	[dreg:$0x2] =	wrdreg s2  }
0xa9: {  	[dreg:$0x3] =	wrdreg s4  }
0xaa: {  	[dreg:$0x4] =	wrdreg $0xC0  }
0xab: {  	_ =	task [dreg:s6], $0x5FFFF  }
0xac: {  	[dreg:$0x1] =	wrdreg $0xFFFFFFFF  }
0xad: {  	[dreg:$0x0] =	wrdreg $0x60  }
0xae: {  	[dreg:$0x2] =	wrdreg s24  }
0xaf: {  	[dreg:$0x3] =	wrdreg $0x41000  }
0xb0: {  	[dreg:$0x4] =	wrdreg $0x9  }
0xb1: {  	_ =	task.clear_ibuf [dreg:s6], $0x5FFFF;
	_ =	strace $0x90000049  }
0xb2: {  	s29 =	simm.s32 $0x9;
	_ =	strace $0x8000004B  }
0xb3: {  	_ =	swait.ge [sflag:s29], $0x1  }
0xb4: {  	[sflag:s29] =	ssyncadd.s32 $0xFFFFFFFF  }
0xb5: {  	_ =	strace $0x9000004B  }
0xb6: {  	_ =	sfence  }
0xb7: {  	s30 =	sld [smem:$0x0];
	_ =	sdelay $0x2  }
0xb8: {  	s31 =	sshll.u32 s1, $0xD;
	s1 =	sshrl.u32 s1, $0x2  }
0xb9: {  	s3 =	sand.u32 $0x4000, s31;
	s1 =	sadd.s32 s1, s30  }
0xba: {  	s0 =	sor.u32 s3, s0;
	s1 =	sshll.u32 s1, $0x11  }
0xbb: {  	s0 =	sor.u32 s1, s0  }
0xbc: {  	s0 =	sadd.s32 $0x8F2B, s0  }
0xbd: {  	[sflag:s0] =	ssyncadd.remote.s32 $0x1  }
0xbe: {  	_ =	sfence.sel $0xFFFF  }
0xbf: {  	[dreg:$0x0] =	wrdreg $0xFFFFFFFF;
	(pc) =	sbr.abs _section_cstart, $3  }
0xc0: {  	[dreg:$0x1] =	wrdreg $0xFFFFFFFF  }
0xc1: {  	_ =	task.clear_ibuf [dreg:s6], $0x2FFFF;
	_ =	strace $0x9FFFFFFF  }
0xc2: {  	(tm) =	ssettm $0x7FFFFFFF  }
0xc3: {  	_ =	shalt  }
tec
execute0_lowered:
.L_overlay_start_1:
0x0: {  	(tag) =	ssettag $0x1  }
0x1: {  	s1 =	srdreg.scid;
	s5 =	rddreg [dreg:$0x0]  }
0x2: {  	s0 =	stileid.u32;
	s2 =	rddreg [dreg:$0x1]  }
0x3: {  	s3 =	simm.s32 $0x0;
	s14 =	simm.s32 $0x2100;
	s4 =	smul.u32 $0x4F00, s0  }
0x4: {  	s15 =	simm.s32 $0x2;
	s16 =	simm.s32 $0x80;
	s8 =	smul.u32 $0x9E0, s0  }
0x5: {  	s17 =	simm.s32 $0x100;
	s18 =	simm.s32 $0x1;
	s9 =	smul.u32 $0xA000, s0  }
0x6: {  	s6 =	sand.u32 $0x1, s1;
	s1 =	rddreg [dreg:$0x2];
	s31 =	smul.u32 $0x28000, s0  }
0x7: {  	s21 =	simm.s32 $0x0;
	[smem:$0x7FF] =	sst s3;
	s7 =	smul.u32 $0x4F000, s6  }
0x8: {  	s19 =	sshll.u32 s0, $0x6;
	s30 =	smul.u32 $0xA0000, s6;
	_ =	strace $0x8000004A  }
0x9: {  	s6 =	ssub.s32 $0x2, s6;
	s19 =	sor.u32 $0x1C02, s19;
	s12 =	sadd.s32 s8, s5  }
0xa: {  	s10 =	sshrl.u32 s6, $0x1;
	s8 =	sshrl.u32 s31, $0x2;
	s20 =	sadd.s32 s9, s2  }
0xb: {  	s4 =	sadd.s32 s4, s7;
	s7 =	sadd.s32 s9, s30;
	s10 =	ssub.s32 s6, s10  }
0xc: {  	s12 =	sadd.s32 $0x17400, s12;
	s4 =	sshrl.u32 s4, $0x3;
	s7 =	sshrl.u32 s7, $0x3  }
0xd: {  	s20 =	sshrl.u32 s20, $0x3;
	s13 =	sadd.s32 s4, s5;
	s7 =	sadd.s32 s7, s5  }
0xe: {  	s4 =	sadd.s32 $0x48400, s5;
	s5 =	sadd.s32 s8, s2;
	s6 =	sadd.s32 $0x6F600, s7  }
0xf: {  	s7 =	smax.u32 s10, $0x1;
	s8 =	sadd.s32 $0x2000, s5;
	s9 =	sadd.s32 $0x4000, s5  }
0x10: {  	v0 =	vimm.f32 $0.0e+00;
	s10 =	sadd.s32 $0x6000, s5;
	s11 =	sadd.s32 $0x8000, s5;
	s13 =	sadd.s32 $0x3800, s13  }
.LBB2_1:
0x11: {  	s23 =	simm.s32 $0x100;
	s22 =	simm.s32 $0x0  }
.LBB2_2:
0x12: {  	p0 =	sne.s32 s23, $0x7F00;
	[tilespmem:s22+$0x2130] =	vst v0;
	s24 =	smov.u32 s23;
	s23 =	sadd.s32 $0x100, s23  }
.Ltmp0:
0x13: {  	[tilespmem:s22+$0x2120] =	vst v0;
	(pc) =	sbr.rel @p0 .LBB2_2-.Ltmp0, $3  }
0x14: {  	[tilespmem:s22+$0x2100] =	vst v0  }
0x15: {  	[tilespmem:s22+$0x2110] =	vst v0;
	_ =	sdelay $0x1  }
0x16: {  	s22 =	sshra.s32 s24, $0x2  }
0x17: {  	[tilespmem:s22+$0x2130] =	vst v0  }
0x18: {  	[tilespmem:s22+$0x2120] =	vst v0  }
0x19: {  	[tilespmem:s22+$0x2100] =	vst v0  }
0x1a: {  	[tilespmem:s22+$0x2110] =	vst v0  }
0x1b: {  	[spmem:s5] =	stream.linear.scatter [tilespmem:s14], [sflag:$0x2], $0x2000, $0x38;
	[tilespmem:$0xE100] =	vst v63  }
0x1c: {  	_ =	swait.ge [sflag:s15], $0x2000  }
0x1d: {  	[sflag:s15] =	ssyncset.done $0x0  }
0x1e: {  	[sflag:s15] =	ssyncadd.s32 $0xFFFFE000  }
0x1f: {  	[spmem:s8] =	stream.linear.scatter [tilespmem:s14], [sflag:$0x2], $0x2000, $0x38;
	[tilespmem:$0xE100] =	vst v63  }
0x20: {  	_ =	swait.ge [sflag:s15], $0x2000  }
0x21: {  	[sflag:s15] =	ssyncset.done $0x0  }
0x22: {  	[sflag:s15] =	ssyncadd.s32 $0xFFFFE000  }
0x23: {  	[spmem:s9] =	stream.linear.scatter [tilespmem:s14], [sflag:$0x2], $0x2000, $0x38;
	[tilespmem:$0xE100] =	vst v63  }
0x24: {  	_ =	swait.ge [sflag:s15], $0x2000  }
0x25: {  	[sflag:s15] =	ssyncset.done $0x0  }
0x26: {  	[sflag:s15] =	ssyncadd.s32 $0xFFFFE000  }
0x27: {  	[spmem:s10] =	stream.linear.scatter [tilespmem:s14], [sflag:$0x2], $0x2000, $0x38;
	[tilespmem:$0xE100] =	vst v63  }
0x28: {  	_ =	swait.ge [sflag:s15], $0x2000  }
0x29: {  	[sflag:s15] =	ssyncset.done $0x0  }
0x2a: {  	[sflag:s15] =	ssyncadd.s32 $0xFFFFE000  }
0x2b: {  	[spmem:s11] =	stream.linear.scatter [tilespmem:s14], [sflag:$0x2], $0x2000, $0x38;
	[tilespmem:$0xE100] =	vst v63  }
0x2c: {  	_ =	swait.ge [sflag:s15], $0x2000  }
0x2d: {  	[sflag:s15] =	ssyncset.done $0x0  }
0x2e: {  	[sflag:s15] =	ssyncadd.s32 $0xFFFFE000  }
0x2f: {  	s30 =	sadd.s32 $0x0, s13;
	[bflag:$0x0] =	sbarrier.arrive $0xFFFF  }
0x30: {  	[tilespmem:s3], [sflag:$0x2] =	stream.linear.gather [hbm4b:s30+s3], $0x80, $0x38;
	[tilespmem:$0xE100] =	vst v63  }
0x31: {  	_ =	swait.ge [sflag:s15], $0x80  }
0x32: {  	[sflag:s15] =	ssyncset.done $0x0  }
0x33: {  	s31 =	sadd.s32 $0x0, s12;
	[sflag:s15] =	ssyncadd.s32 $0xFFFFFF80  }
0x34: {  	[tilespmem:s16], [sflag:$0x2] =	stream.linear.gather [hbm4b:s31+s3], $0x80, $0x38;
	[tilespmem:$0xE100] =	vst v63  }
0x35: {  	_ =	swait.ge [sflag:s15], $0x80  }
0x36: {  	[sflag:s15] =	ssyncset.done $0x0  }
0x37: {  	[sflag:s15] =	ssyncadd.s32 $0xFFFFFF80  }
0x38: {  	[tilespmem:s17], [sflag:$0x1] =	stream.indirect.gather [hbm4b:s4+s16], $0x40, s3, s16, $0xb8;
	[tilespmem:$0xE100] =	vst v63  }
0x39: {  	_ =	swait.ge [sflag:s18], $0x2000  }
0x3a: {  	[sflag:s18] =	ssyncset.done $0x0  }
0x3b: {  	[sflag:s18] =	ssyncadd.s32 $0xFFFFE000  }
0x3c: {  	[spmem:s2] =	stream.indirect.scatter.add.f32 [tilespmem:s17], [sflag:$0x2], $0x40, s16, s16, $0xb8;
	[tilespmem:$0xE100] =	vst v63  }
0x3d: {  	_ =	swait.ge [sflag:s15], $0x2000  }
0x3e: {  	s22 =	simm.s32 $0x10;
	s23 =	simm.s32 $0x20;
	[sflag:s15] =	ssyncset.done $0x0  }
.LBB2_4:
0x3f: {  	s24 =	sadd.s32 s22, s13  }
0x40: {  	[sflag:s15] =	ssyncadd.s32 $0xFFFFE000;
	s25 =	smov.u32 s23;
	s26 =	sadd.s32 $0x10, s23  }
0x41: {  	[tilespmem:s3], [sflag:$0x2] =	stream.linear.gather [hbm4b:s24+s3], $0x80, $0x38;
	[tilespmem:$0xE100] =	vst v63  }
0x42: {  	p0 =	sne.s32 s23, $0x9D0;
	_ =	swait.ge [sflag:s15], $0x80  }
0x43: {  	[sflag:s15] =	ssyncset.done $0x0  }
0x44: {  	s23 =	sadd.s32 s22, s12;
	s22 =	smov.u32 s25;
	[sflag:s15] =	ssyncadd.s32 $0xFFFFFF80  }
0x45: {  	[tilespmem:s16], [sflag:$0x2] =	stream.linear.gather [hbm4b:s23+s3], $0x80, $0x38;
	[tilespmem:$0xE100] =	vst v63  }
0x46: {  	_ =	swait.ge [sflag:s15], $0x80  }
0x47: {  	[sflag:s15] =	ssyncset.done $0x0  }
0x48: {  	[sflag:s15] =	ssyncadd.s32 $0xFFFFFF80  }
0x49: {  	[tilespmem:s17], [sflag:$0x1] =	stream.indirect.gather [hbm4b:s4+s16], $0x40, s3, s16, $0xb8;
	[tilespmem:$0xE100] =	vst v63  }
0x4a: {  	_ =	swait.ge [sflag:s18], $0x2000  }
.Ltmp1:
0x4b: {  	[sflag:s18] =	ssyncset.done $0x0;
	(pc) =	sbr.rel @p0 .LBB2_4-.Ltmp1, $4  }
0x4c: {  	[sflag:s18] =	ssyncadd.s32 $0xFFFFE000  }
0x4d: {  	[spmem:s2] =	stream.indirect.scatter.add.f32 [tilespmem:s17], [sflag:$0x2], $0x40, s16, s16, $0xb8;
	[tilespmem:$0xE100] =	vst v63  }
0x4e: {  	_ =	swait.ge [sflag:s15], $0x2000  }
0x4f: {  	s23 =	smov.u32 s26;
	[sflag:s15] =	ssyncset.done $0x0  }
0x50: {  	s23 =	sadd.s32 s22, s13;
	[sflag:s15] =	ssyncadd.s32 $0xFFFFE000  }
0x51: {  	[tilespmem:s3], [sflag:$0x2] =	stream.linear.gather [hbm4b:s23+s3], $0x80, $0x38;
	[tilespmem:$0xE100] =	vst v63  }
0x52: {  	_ =	swait.ge [sflag:s15], $0x80  }
0x53: {  	[sflag:s15] =	ssyncset.done $0x0  }
0x54: {  	s31 =	sadd.s32 s22, s12;
	[sflag:s15] =	ssyncadd.s32 $0xFFFFFF80  }
0x55: {  	[tilespmem:s16], [sflag:$0x2] =	stream.linear.gather [hbm4b:s31+s3], $0x80, $0x38;
	[tilespmem:$0xE100] =	vst v63  }
0x56: {  	_ =	swait.ge [sflag:s15], $0x80  }
0x57: {  	[sflag:s15] =	ssyncset.done $0x0  }
0x58: {  	[sflag:s15] =	ssyncadd.s32 $0xFFFFFF80  }
0x59: {  	[tilespmem:s17], [sflag:$0x1] =	stream.indirect.gather [hbm4b:s4+s16], $0x40, s3, s16, $0xb8;
	[tilespmem:$0xE100] =	vst v63  }
0x5a: {  	_ =	swait.ge [sflag:s18], $0x2000  }
0x5b: {  	[sflag:s18] =	ssyncset.done $0x0  }
0x5c: {  	[sflag:s18] =	ssyncadd.s32 $0xFFFFE000  }
0x5d: {  	[spmem:s2] =	stream.indirect.scatter.add.f32 [tilespmem:s17], [sflag:$0x2], $0x40, s16, s16, $0xb8;
	[tilespmem:$0xE100] =	vst v63  }
0x5e: {  	_ =	swait.ge [sflag:s15], $0x2000  }
0x5f: {  	s21 =	sadd.s32 $0x1, s21;
	[sflag:s15] =	ssyncset.done $0x0  }
0x60: {  	p0 =	sne.s32 s21, s7;
	[sflag:s15] =	ssyncadd.s32 $0xFFFFE000  }
.Ltmp2:
0x61: {  	[bflag:$0x0] =	sbarrier.arrive $0xFFFF;
	(pc) =	sbr.rel @p0 .LBB2_1-.Ltmp2, $4  }
0x62: {  	[hbm:s6], [sflag:s19] =	dma.local [spmem:s20], $0x1400  }
0x63: {  	_ =	swait.ge [sflag:s15], $0x1400  }
0x64: {  	[sflag:s15] =	ssyncset.done $0x0  }
0x65: {  	[sflag:s15] =	ssyncadd.s32 $0xFFFFEC00  }
0x66: {  	_ =	sfence.sel $0x180000  }
0x67: {  	[bflag:$0x0] =	sbarrier.arrive $0xFFFF  }
0x68: {  	p0 =	sne.s32 s0, $0x0;
	_ =	strace $0x9000004A  }
0x69: {  	s0 =	sadd.s32 @!p0 $0x100000, s1;
	[bflag:$0x2] =	sbarrier.arrive $0xFFFF  }
0x6a: {  	[sflag:s0] =	ssyncadd.tile.s32 @!p0 $0x1;
	_ =	shalt  }
.Lfunc_end2:
_tile_overlayer_lowered:
.L_overlay_start_2:
0x6b: {  	(tag) =	ssettag $0x2  }
0x6c: {  	s0 =	rddreg [dreg:$0x0];
	s2 =	stileid.u32  }
0x6d: {  	s1 =	rddreg [dreg:$0x1];
	p0 =	sne.s32 s2, $0x0  }
0x6e: {  	s3 =	rddreg [dreg:$0x2];
	[bflag:$0x3] =	sbarrier.arrive $0xFFFF;
	s2 =	simm.s32 @!p0 $0x1C02  }
0x6f: {  	[timem:s3], [sflag:s2] =	dma.local @!p0 [hbm:s0], s1  }
0x70: {  	s0 =	simm.s32 @!p0 $0x2  }
0x71: {  	_ =	swait.ge @!p0 [sflag:s0], s1  }
0x72: {  	s1 =	ssub.s32 @!p0 $0x0, s1;
	[sflag:s0] =	ssyncset.done @!p0 $0x0  }
0x73: {  	[sflag:s0] =	ssyncadd.s32 @!p0 s1  }
0x74: {  	[bflag:$0x3] =	sbarrier.arrive $0xFFFF  }
0x75: {  	_ =	shalt  }

</sc_bundles>
